<compile_context>
chip_gen: v7x
topology: tpu7x:2x2x1
jax: 0.10.2.dev20260603
libtpu: 0.0.44.dev20260713+nightly
codegen_flags: <defaults>
</compile_context>

<pallas_src>
import jax
import jax.numpy as jnp
from jax import lax
from jax.experimental import pallas as pl
from jax.experimental.pallas import tpu as pltpu
from jax.experimental.pallas import tpu_sc as plsc

_B, _S, _D, _F, _E = 2, 2048, 1024, 4096, 8
_T = _B * _S
_M = 512
_NT = 15
_SB = _NT * _M
_NTP = 32
_NROW = 8
_FQ = _F // 4

_NW = 32
_TPW = _T // _NW
_CW = 64
_CH = _TPW // _CW

_BIG = 1.0e4


def _shr(a, k, fill=0.0):
    return jnp.concatenate(
        [jnp.full((1, k), fill, jnp.float32), a[:, :-k]], axis=1)


def _shl(a, k, fill=0.0):
    return jnp.concatenate(
        [a[:, k:], jnp.full((1, k), fill, jnp.float32)], axis=1)


def _router_body(x_ref, ws_ref, bs_ref, pos_ref, p16_ref, te_ref):
    xf = x_ref[...]
    logits = jnp.dot(xf, ws_ref[...],
                     preferred_element_type=jnp.float32) + bs_ref[...]
    m = jnp.max(logits, axis=1, keepdims=True)
    ex = jnp.exp(logits - m)
    ssum = jnp.sum(ex, axis=1, keepdims=True)
    exmax = jnp.max(ex, axis=1, keepdims=True)
    pmax = exmax / ssum

    eidx = lax.broadcasted_iota(jnp.int32, (_T, _E), 1)
    route = jnp.min(jnp.where(ex == exmax, eidx, _E), axis=1, keepdims=True)
    oh = (eidx == route).astype(jnp.float32)

    csum = oh
    k = 1
    while k < _T:
        csum = csum + jnp.concatenate(
            [jnp.zeros((k, _E), jnp.float32), csum[:-k, :]], axis=0)
        k *= 2
    counts = lax.slice(csum, (_T - 1, 0), (_T, _E))
    ntiles = jnp.ceil(counts * (1.0 / _M))
    tcum = ntiles
    for k in (1, 2, 4):
        tcum = tcum + _shr(tcum, k)
    tstart = tcum - ntiles

    rank = jnp.sum(jnp.where(oh > 0, csum, 0.0), axis=1, keepdims=True)
    base = jnp.sum(jnp.where(oh > 0,
                             jnp.broadcast_to(tstart * _M, (_T, _E)),
                             0.0), axis=1, keepdims=True)
    pos_ref[...] = (base + rank - 1.0).astype(jnp.int32)
    p16_ref[...] = jnp.broadcast_to(pmax, (_T, 128))

    tif = lax.broadcasted_iota(jnp.int32, (1, _NTP), 1).astype(jnp.float32)
    te = jnp.zeros((1, _NTP), jnp.float32)
    for e in range(_E):
        te = te + (tif >= lax.slice(tcum, (0, e), (1, e + 1))).astype(
            jnp.float32)
    te = jnp.minimum(te, float(_E - 1))
    total = lax.slice(tcum, (0, _E - 1), (1, _E))
    valid = (tif < total).astype(jnp.float32)

    prev = jnp.concatenate([jnp.full((1, 1), -1.0, jnp.float32),
                            te[:, :-1]], axis=1)
    changed = (te != prev).astype(jnp.float32)
    csch = changed
    for k in (1, 2, 4, 8, 16):
        csch = csch + _shr(csch, k)
    parity = jnp.mod(csch - 1.0, 2.0)

    lci = jnp.where(changed > 0, tif, -1.0)
    for k in (1, 2, 4, 8, 16):
        lci = jnp.maximum(lci, _shr(lci, k, fill=-1.0))
    nci = _shl(jnp.where(changed > 0, tif, _BIG), 1, fill=_BIG)
    for k in (1, 2, 4, 8, 16):
        nci = jnp.minimum(nci, _shl(nci, k, fill=_BIG))
    jrun = tif - lci
    mrun = jnp.minimum(nci, float(2 * _NTP)) - lci
    nxe = _shl(jnp.where(changed > 0, te, _BIG), 1, fill=_BIG)
    for k in (1, 2, 4, 8, 16):
        nxe = jnp.where(nxe < _BIG, nxe, _shl(nxe, k, fill=_BIG))
    tgt = jnp.where(nxe < _BIG, nxe, te)
    cstart = jnp.floor(4.0 * jrun / mrun)
    cend = jnp.floor(4.0 * (jrun + 1.0) / mrun)
    nfetch = jnp.where(nxe < _BIG, cend - cstart, 0.0)

    te_ref[...] = jnp.concatenate(
        [te, valid, changed, parity, tgt, cstart, nfetch, nfetch],
        axis=0).astype(jnp.int32)


def _router(xf, Ws, bs2):
    return pl.pallas_call(
        _router_body,
        out_shape=(
            jax.ShapeDtypeStruct((_T, 1), jnp.int32),
            jax.ShapeDtypeStruct((_T, 128), jnp.float32),
            jax.ShapeDtypeStruct((_NROW, _NTP), jnp.int32),
        ),
    )(xf, Ws, bs2)


def _sc_mesh():
    return plsc.VectorSubcoreMesh(core_axis_name="c", subcore_axis_name="s")


def _dispatch_body(xf_hbm, p_hbm, pos_hbm, xs_hbm, ps_hbm,
                   idx_v, xbuf, pbuf, sem):
    w = lax.axis_index("c") * 16 + lax.axis_index("s")
    base = w * _TPW
    pltpu.sync_copy(pos_hbm.at[w], idx_v)
    for j in range(_CH):
        pltpu.sync_copy(xf_hbm.at[pl.ds(base + j * _CW, _CW)], xbuf)
        pltpu.async_copy(xbuf, xs_hbm.at[idx_v.at[j]], sem).wait()
        pltpu.sync_copy(p_hbm.at[pl.ds(base + j * _CW, _CW)], pbuf)
        pltpu.async_copy(pbuf, ps_hbm.at[idx_v.at[j]], sem).wait()


def _dispatch(xf, p16, pos3):
    return pl.kernel(
        _dispatch_body,
        out_type=(
            jax.ShapeDtypeStruct((_SB, _D), jnp.float32),
            jax.ShapeDtypeStruct((_SB, 128), jnp.float32),
        ),
        mesh=_sc_mesh(),
        scratch_types=[
            pltpu.VMEM((_CH, _CW), jnp.int32),
            pltpu.VMEM((_CW, _D), jnp.float32),
            pltpu.VMEM((_CW, 128), jnp.float32),
            pltpu.SemaphoreType.DMA,
        ],
    )(xf, p16, pos3)


_F2 = _F // 2


def _ffn_body(sp_ref, xs_ref, w1f_ref, b1_ref, w2f_ref, b2_ref, p_ref,
              o_ref, w1sa, w2sa, w1sb, w2sb, h_scr):
    i = pl.program_id(0)
    s = pl.program_id(1)
    c = jnp.maximum(i - 1, 0)
    comp = (i >= 1) & (sp_ref[_NTP + c] == 1)
    cpar = sp_ref[3 * _NTP + c]
    fpar = 1 - cpar
    cs_t = sp_ref[5 * _NTP + c]
    n_t = sp_ref[6 * _NTP + c]
    chunk = cs_t + s
    fresh = ((i >= 1) & (s < n_t)) | (i == 0)
    fq = jnp.where(i == 0, s, chunk)

    for par in (0, 1):
        fcond = fresh & (jnp.where(i == 0, 0, fpar) == par)
        for q in range(4):
            lo = q * _FQ

            @pl.when(fcond & (fq == q))
            def _(w1s=(w1sa, w1sb)[par], lo=lo):
                w1s[:, lo:lo + _FQ] = w1f_ref[0].astype(jnp.bfloat16)

            @pl.when(fcond & (fq == q))
            def _(w2s=(w2sa, w2sb)[par], lo=lo):
                w2s[lo:lo + _FQ, :] = w2f_ref[0].astype(jnp.bfloat16)

        for hh in (0, 1):
            lo = hh * _F2

            @pl.when(comp & (cpar == par) & (s == hh))
            def _(w1s=(w1sa, w1sb)[par], lo=lo):
                h = jnp.dot(xs_ref[...].astype(jnp.bfloat16),
                            w1s[:, lo:lo + _F2],
                            preferred_element_type=jnp.float32)
                h_scr[:, lo:lo + _F2] = jnp.maximum(
                    h + b1_ref[0][:, lo:lo + _F2], 0.0).astype(jnp.bfloat16)

            @pl.when(comp & (cpar == par) & (s == 2 + hh))
            def _(w2s=(w2sa, w2sb)[par], lo=lo, hh=hh):
                part = jnp.dot(h_scr[:, lo:lo + _F2], w2s[lo:lo + _F2, :],
                               preferred_element_type=jnp.float32)
                if hh == 0:
                    o_ref[...] = part + b2_ref[0]
                else:
                    o_ref[...] = (o_ref[...] + part) * p_ref[:, 0:1]


def _ffn(sp, xs, W1, b1r, W2, b2r, ps):
    def _sched(i, s, sp):
        t = jnp.maximum(i - 1, 0)
        te_t = sp[t]
        tgt_t = sp[4 * _NTP + t]
        k_ov = sp[5 * _NTP + t] + jnp.minimum(s, sp[6 * _NTP + t] - 1)
        e = jnp.where(i == 0, sp[0],
                      jnp.where(k_ov >= 0, tgt_t, te_t))
        q = jnp.where(i == 0, s,
                      jnp.where(k_ov >= 0, jnp.minimum(k_ov, 3), 3))
        return e, q

    def w1_map(i, s, sp):
        e, q = _sched(i, s, sp)
        return (e, 0, q)

    def w2_map(i, s, sp):
        e, q = _sched(i, s, sp)
        return (e, q, 0)

    def c_map(i, s, sp):
        return (jnp.maximum(i - 1, 0), 0)

    def bc_map(i, s, sp):
        return (sp[jnp.maximum(i - 1, 0)], 0, 0)

    grid_spec = pltpu.PrefetchScalarGridSpec(
        num_scalar_prefetch=1,
        grid=(_NT + 1, 4),
        in_specs=[
            pl.BlockSpec((_M, _D), c_map),
            pl.BlockSpec((1, _D, _FQ), w1_map),
            pl.BlockSpec((1, 1, _F), bc_map),
            pl.BlockSpec((1, _FQ, _D), w2_map),
            pl.BlockSpec((1, 1, _D), bc_map),
            pl.BlockSpec((_M, 128), c_map),
        ],
        out_specs=pl.BlockSpec((_M, _D), c_map),
        scratch_shapes=[
            pltpu.VMEM((_D, _F), jnp.bfloat16),
            pltpu.VMEM((_F, _D), jnp.bfloat16),
            pltpu.VMEM((_D, _F), jnp.bfloat16),
            pltpu.VMEM((_F, _D), jnp.bfloat16),
            pltpu.VMEM((_M, _F), jnp.bfloat16),
        ],
    )
    return pl.pallas_call(
        _ffn_body,
        grid_spec=grid_spec,
        out_shape=jax.ShapeDtypeStruct((_SB, _D), jnp.float32),
        compiler_params=pltpu.CompilerParams(
            dimension_semantics=("arbitrary", "arbitrary"),
            vmem_limit_bytes=66846720,
        ),
    )(sp, xs, W1, b1r, W2, b2r, ps)


def _combine_body(os_hbm, pos_hbm, out_hbm, idx_v, buf, sem):
    w = lax.axis_index("c") * 16 + lax.axis_index("s")
    base = w * _TPW
    pltpu.sync_copy(pos_hbm.at[w], idx_v)
    for j in range(_CH):
        pltpu.async_copy(os_hbm.at[idx_v.at[j]], buf, sem).wait()
        pltpu.sync_copy(buf, out_hbm.at[pl.ds(base + j * _CW, _CW)])


def _combine(os_, pos3):
    return pl.kernel(
        _combine_body,
        out_type=jax.ShapeDtypeStruct((_T, _D), jnp.float32),
        mesh=_sc_mesh(),
        scratch_types=[
            pltpu.VMEM((_CH, _CW), jnp.int32),
            pltpu.VMEM((_CW, _D), jnp.float32),
            pltpu.SemaphoreType.DMA,
        ],
    )(os_, pos3)


def kernel(x, Ws, bs, W1, b1, W2, b2):
    b, s, d = x.shape
    xf = x.reshape(-1, d)
    pos, p16, tev = _router(xf, Ws, bs.reshape(1, _E))
    sp = tev.reshape(-1)
    pos3 = pos.reshape(_NW, _CH, _CW)
    xs, ps = _dispatch(xf, p16, pos3)
    os_ = _ffn(sp, xs, W1, b1.reshape(_E, 1, _F),
               W2, b2.reshape(_E, 1, _D), ps)
    out = _combine(os_, pos3)
    return out.reshape(b, s, d)

# --- scband reference (transcript-rebuilt; emitter-appended) ---
"""Pipeline reference for scband-switch-feed-forward-43903155700467 (READ-ONLY COPY).

The authoritative reference and input builder live on the scoring server;
editing this copy changes nothing except your own understanding.
"""

import jax, jax.numpy as jnp
import numpy as np

B, S, D, F, E = 2, 2048, 1024, 4096, 8

def setup_inputs(seed: int = 0) -> dict:
    key = jax.random.key(seed)
    ks = jax.random.split(key, 6)
    x = jax.random.normal(ks[0], (B, S, D), dtype=jnp.float32)
    Ws = jax.random.normal(ks[1], (D, E), dtype=jnp.float32) * 0.02
    bs = jnp.zeros((E,), dtype=jnp.float32)
    W1 = jax.random.normal(ks[2], (E, D, F), dtype=jnp.float32) * 0.02
    b1 = jnp.zeros((E, F), dtype=jnp.float32)
    W2 = jax.random.normal(ks[3], (E, F, D), dtype=jnp.float32) * 0.02
    b2 = jnp.zeros((E, D), dtype=jnp.float32)
    return {"x": x, "Ws": Ws, "bs": bs, "W1": W1, "b1": b1, "W2": W2, "b2": b2}

def reference(x, Ws, bs, W1, b1, W2, b2):
    b, s, d = x.shape
    xf = x.reshape(-1, d)
    logits = xf @ Ws + bs
    route_prob = jax.nn.softmax(logits, axis=-1)
    route_prob_max = jnp.max(route_prob, axis=-1)
    routes = jnp.argmax(route_prob, axis=-1)
    n_experts = Ws.shape[1]
    final = jnp.zeros_like(xf)
    for i in range(n_experts):
        mask = routes == i
        h = jax.nn.relu(xf @ W1[i] + b1[i])
        out = h @ W2[i] + b2[i]
        final = jnp.where(mask[:, None], out, final)
    final = final * route_prob_max[:, None]
    return final.reshape(b, s, d)

if __name__ == "__main__":
    import jax
    _d = setup_inputs()
    print(jax.jit(kernel)(*tuple(_d.values())))

</pallas_src>

<mosaic_0001>
#map = affine_map<(d0, d1) -> (0, 0)>
#map1 = affine_map<(d0, d1) -> (0, 0, 0)>
module attributes {stable_mosaic.version = 14 : i64} {
  func.func @_dispatch_body(%arg0: i32, %arg1: i32, %arg2: memref<4096x1024xf32, #tpu.memory_space<hbm>>, %arg3: memref<4096x128xf32, #tpu.memory_space<hbm>>, %arg4: memref<32x2x64xi32, #tpu.memory_space<hbm>>, %arg5: memref<7680x1024xf32, #tpu.memory_space<hbm>>, %arg6: memref<7680x128xf32, #tpu.memory_space<hbm>>, %arg7: memref<2x64xi32, #tpu.memory_space<vmem>>, %arg8: memref<64x1024xf32, #tpu.memory_space<vmem>>, %arg9: memref<64x128xf32, #tpu.memory_space<vmem>>, %arg10: memref<!tpu.dma_semaphore, #tpu.memory_space<semaphore_mem>>) attributes {dimension_semantics = [#tpu.dimension_semantics<core_parallel>, #tpu.dimension_semantics<subcore_parallel>], iteration_bounds = array<i64: 2, 16>, scalar_prefetch = 0 : i64, scratch_operands = 4 : i64, tpu.core_type = #tpu.core_type<sc_vector_subcore>, window_params = [{transform_indices = #map}, {transform_indices = #map}, {transform_indices = #map1}, {transform_indices = #map}, {transform_indices = #map}]} {
    %mul3A = arith.constant 16 : i32
    %mul3A_0 = arith.muli %arg0, %mul3A : i32
    %add3A = arith.addi %mul3A_0, %arg1 : i32
    %mul3A_1 = arith.constant 128 : i32
    %mul3A_2 = arith.muli %add3A, %mul3A_1 : i32
    "tpu.region"() ({
      %run_scoped3A = tpu.sem_alloc : memref<!tpu.dma_semaphore, #tpu.memory_space<semaphore_mem>>
      %dma_start3A_65 = arith.constant 0 : i32
      %dma_start3A_66 = arith.constant 0 : i32
      %dma_start3A_67 = tpu.memref_slice %arg4[%add3A, %dma_start3A_65, %dma_start3A_66] : memref<32x2x64xi32, #tpu.memory_space<hbm>> -> memref<1x2x64xi32, #tpu.memory_space<hbm>>
      %dma_start3A_68 = tpu.memref_squeeze %dma_start3A_67 : memref<1x2x64xi32, #tpu.memory_space<hbm>> -> memref<2x64xi32, #tpu.memory_space<hbm>>
      %dma_start3A_69 = arith.constant 0 : i32
      %dma_start3A_70 = arith.constant 0 : i32
      %dma_start3A_71 = tpu.memref_slice %arg4[%add3A, %dma_start3A_69, %dma_start3A_70] : memref<32x2x64xi32, #tpu.memory_space<hbm>> -> memref<1x2x64xi32, #tpu.memory_space<hbm>>
      %dma_start3A_72 = tpu.memref_squeeze %dma_start3A_71 : memref<1x2x64xi32, #tpu.memory_space<hbm>> -> memref<2x64xi32, #tpu.memory_space<hbm>>
      tpu.enqueue_dma source(%dma_start3A_72 : memref<2x64xi32, #tpu.memory_space<hbm>>) target(%arg7 : memref<2x64xi32, #tpu.memory_space<vmem>>) target_semaphore(%run_scoped3A : memref<!tpu.dma_semaphore, #tpu.memory_space<semaphore_mem>>)
      %dma_wait3A_73 = arith.constant 0 : i32
      %dma_wait3A_74 = arith.constant 0 : i32
      %dma_wait3A_75 = tpu.memref_slice %arg4[%add3A, %dma_wait3A_73, %dma_wait3A_74] : memref<32x2x64xi32, #tpu.memory_space<hbm>> -> memref<1x2x64xi32, #tpu.memory_space<hbm>>
      %dma_wait3A_76 = tpu.memref_squeeze %dma_wait3A_75 : memref<1x2x64xi32, #tpu.memory_space<hbm>> -> memref<2x64xi32, #tpu.memory_space<hbm>>
      %dma_wait3A_77 = arith.constant 0 : i32
      %dma_wait3A_78 = arith.constant 0 : i32
      %dma_wait3A_79 = tpu.memref_slice %arg4[%add3A, %dma_wait3A_77, %dma_wait3A_78] : memref<32x2x64xi32, #tpu.memory_space<hbm>> -> memref<1x2x64xi32, #tpu.memory_space<hbm>>
      %dma_wait3A_80 = tpu.memref_squeeze %dma_wait3A_79 : memref<1x2x64xi32, #tpu.memory_space<hbm>> -> memref<2x64xi32, #tpu.memory_space<hbm>>
      tpu.wait_dma2 semaphore(%run_scoped3A : memref<!tpu.dma_semaphore, #tpu.memory_space<semaphore_mem>>) src(%dma_wait3A_80 : memref<2x64xi32, #tpu.memory_space<hbm>>) dst(%arg7 : memref<2x64xi32, #tpu.memory_space<vmem>>)
      tpu.yield
    }) : () -> ()
    %add3A_3 = arith.constant 0 : i32
    %add3A_4 = arith.addi %mul3A_2, %add3A_3 : i32
    "tpu.region"() ({
      %run_scoped3A = tpu.sem_alloc : memref<!tpu.dma_semaphore, #tpu.memory_space<semaphore_mem>>
      %dma_start3A_65 = arith.constant 0 : i32
      %dma_start3A_66 = tpu.memref_slice %arg2[%add3A_4, %dma_start3A_65] : memref<4096x1024xf32, #tpu.memory_space<hbm>> -> memref<64x1024xf32, #tpu.memory_space<hbm>>
      %dma_start3A_67 = arith.constant 0 : i32
      %dma_start3A_68 = tpu.memref_slice %arg2[%add3A_4, %dma_start3A_67] : memref<4096x1024xf32, #tpu.memory_space<hbm>> -> memref<64x1024xf32, #tpu.memory_space<hbm>>
      tpu.enqueue_dma source(%dma_start3A_68 : memref<64x1024xf32, #tpu.memory_space<hbm>>) target(%arg8 : memref<64x1024xf32, #tpu.memory_space<vmem>>) target_semaphore(%run_scoped3A : memref<!tpu.dma_semaphore, #tpu.memory_space<semaphore_mem>>)
      %dma_wait3A_69 = arith.constant 0 : i32
      %dma_wait3A_70 = tpu.memref_slice %arg2[%add3A_4, %dma_wait3A_69] : memref<4096x1024xf32, #tpu.memory_space<hbm>> -> memref<64x1024xf32, #tpu.memory_space<hbm>>
      %dma_wait3A_71 = arith.constant 0 : i32
      %dma_wait3A_72 = tpu.memref_slice %arg2[%add3A_4, %dma_wait3A_71] : memref<4096x1024xf32, #tpu.memory_space<hbm>> -> memref<64x1024xf32, #tpu.memory_space<hbm>>
      tpu.wait_dma2 semaphore(%run_scoped3A : memref<!tpu.dma_semaphore, #tpu.memory_space<semaphore_mem>>) src(%dma_wait3A_72 : memref<64x1024xf32, #tpu.memory_space<hbm>>) dst(%arg8 : memref<64x1024xf32, #tpu.memory_space<vmem>>)
      tpu.yield
    }) : () -> ()
    %dma_start3A = arith.constant 0 : i32
    %dma_start3A_5 = arith.constant 0 : i32
    %dma_start3A_6 = tpu.memref_slice %arg7[%dma_start3A, %dma_start3A_5] : memref<2x64xi32, #tpu.memory_space<vmem>> -> memref<1x64xi32, #tpu.memory_space<vmem>>
    %dma_start3A_7 = tpu.memref_squeeze %dma_start3A_6 : memref<1x64xi32, #tpu.memory_space<vmem>> -> memref<64xi32, #tpu.memory_space<vmem>>
    %dma_start3A_8 = arith.constant 0 : i32
    %dma_start3A_9 = arith.constant 0 : i32
    %dma_start3A_10 = tpu.memref_slice %arg5[%dma_start3A_8, %dma_start3A_9] : memref<7680x1024xf32, #tpu.memory_space<hbm>> -> memref<7680x1024xf32, #tpu.memory_space<hbm>>
    tpu.enqueue_indirect_dma source(%arg8 : memref<64x1024xf32, #tpu.memory_space<vmem>>) target(%dma_start3A_10 : memref<7680x1024xf32, #tpu.memory_space<hbm>>) offsets(%dma_start3A_7 : memref<64xi32, #tpu.memory_space<vmem>>) semaphore(%arg10 : memref<!tpu.dma_semaphore, #tpu.memory_space<semaphore_mem>>)
    %dma_wait3A = arith.constant 0 : i32
    %dma_wait3A_11 = arith.constant 0 : i32
    %dma_wait3A_12 = tpu.memref_slice %arg7[%dma_wait3A, %dma_wait3A_11] : memref<2x64xi32, #tpu.memory_space<vmem>> -> memref<1x64xi32, #tpu.memory_space<vmem>>
    %dma_wait3A_13 = tpu.memref_squeeze %dma_wait3A_12 : memref<1x64xi32, #tpu.memory_space<vmem>> -> memref<64xi32, #tpu.memory_space<vmem>>
    %dma_wait3A_14 = arith.constant 0 : i32
    %dma_wait3A_15 = arith.constant 0 : i32
    %dma_wait3A_16 = tpu.memref_slice %arg5[%dma_wait3A_14, %dma_wait3A_15] : memref<7680x1024xf32, #tpu.memory_space<hbm>> -> memref<7680x1024xf32, #tpu.memory_space<hbm>>
    tpu.wait_indirect_dma semaphore(%arg10 : memref<!tpu.dma_semaphore, #tpu.memory_space<semaphore_mem>>) src(%arg8 : memref<64x1024xf32, #tpu.memory_space<vmem>>) dst(%dma_wait3A_16 : memref<7680x1024xf32, #tpu.memory_space<hbm>>)
    %add3A_17 = arith.constant 0 : i32
    %add3A_18 = arith.addi %mul3A_2, %add3A_17 : i32
    "tpu.region"() ({
      %run_scoped3A = tpu.sem_alloc : memref<!tpu.dma_semaphore, #tpu.memory_space<semaphore_mem>>
      %dma_start3A_65 = arith.constant 0 : i32
      %dma_start3A_66 = tpu.memref_slice %arg3[%add3A_18, %dma_start3A_65] : memref<4096x128xf32, #tpu.memory_space<hbm>> -> memref<64x128xf32, #tpu.memory_space<hbm>>
      %dma_start3A_67 = arith.constant 0 : i32
      %dma_start3A_68 = tpu.memref_slice %arg3[%add3A_18, %dma_start3A_67] : memref<4096x128xf32, #tpu.memory_space<hbm>> -> memref<64x128xf32, #tpu.memory_space<hbm>>
      tpu.enqueue_dma source(%dma_start3A_68 : memref<64x128xf32, #tpu.memory_space<hbm>>) target(%arg9 : memref<64x128xf32, #tpu.memory_space<vmem>>) target_semaphore(%run_scoped3A : memref<!tpu.dma_semaphore, #tpu.memory_space<semaphore_mem>>)
      %dma_wait3A_69 = arith.constant 0 : i32
      %dma_wait3A_70 = tpu.memref_slice %arg3[%add3A_18, %dma_wait3A_69] : memref<4096x128xf32, #tpu.memory_space<hbm>> -> memref<64x128xf32, #tpu.memory_space<hbm>>
      %dma_wait3A_71 = arith.constant 0 : i32
      %dma_wait3A_72 = tpu.memref_slice %arg3[%add3A_18, %dma_wait3A_71] : memref<4096x128xf32, #tpu.memory_space<hbm>> -> memref<64x128xf32, #tpu.memory_space<hbm>>
      tpu.wait_dma2 semaphore(%run_scoped3A : memref<!tpu.dma_semaphore, #tpu.memory_space<semaphore_mem>>) src(%dma_wait3A_72 : memref<64x128xf32, #tpu.memory_space<hbm>>) dst(%arg9 : memref<64x128xf32, #tpu.memory_space<vmem>>)
      tpu.yield
    }) : () -> ()
    %dma_start3A_19 = arith.constant 0 : i32
    %dma_start3A_20 = arith.constant 0 : i32
    %dma_start3A_21 = tpu.memref_slice %arg7[%dma_start3A_19, %dma_start3A_20] : memref<2x64xi32, #tpu.memory_space<vmem>> -> memref<1x64xi32, #tpu.memory_space<vmem>>
    %dma_start3A_22 = tpu.memref_squeeze %dma_start3A_21 : memref<1x64xi32, #tpu.memory_space<vmem>> -> memref<64xi32, #tpu.memory_space<vmem>>
    %dma_start3A_23 = arith.constant 0 : i32
    %dma_start3A_24 = arith.constant 0 : i32
    %dma_start3A_25 = tpu.memref_slice %arg6[%dma_start3A_23, %dma_start3A_24] : memref<7680x128xf32, #tpu.memory_space<hbm>> -> memref<7680x128xf32, #tpu.memory_space<hbm>>
    tpu.enqueue_indirect_dma source(%arg9 : memref<64x128xf32, #tpu.memory_space<vmem>>) target(%dma_start3A_25 : memref<7680x128xf32, #tpu.memory_space<hbm>>) offsets(%dma_start3A_22 : memref<64xi32, #tpu.memory_space<vmem>>) semaphore(%arg10 : memref<!tpu.dma_semaphore, #tpu.memory_space<semaphore_mem>>)
    %dma_wait3A_26 = arith.constant 0 : i32
    %dma_wait3A_27 = arith.constant 0 : i32
    %dma_wait3A_28 = tpu.memref_slice %arg7[%dma_wait3A_26, %dma_wait3A_27] : memref<2x64xi32, #tpu.memory_space<vmem>> -> memref<1x64xi32, #tpu.memory_space<vmem>>
    %dma_wait3A_29 = tpu.memref_squeeze %dma_wait3A_28 : memref<1x64xi32, #tpu.memory_space<vmem>> -> memref<64xi32, #tpu.memory_space<vmem>>
    %dma_wait3A_30 = arith.constant 0 : i32
    %dma_wait3A_31 = arith.constant 0 : i32
    %dma_wait3A_32 = tpu.memref_slice %arg6[%dma_wait3A_30, %dma_wait3A_31] : memref<7680x128xf32, #tpu.memory_space<hbm>> -> memref<7680x128xf32, #tpu.memory_space<hbm>>
    tpu.wait_indirect_dma semaphore(%arg10 : memref<!tpu.dma_semaphore, #tpu.memory_space<semaphore_mem>>) src(%arg9 : memref<64x128xf32, #tpu.memory_space<vmem>>) dst(%dma_wait3A_32 : memref<7680x128xf32, #tpu.memory_space<hbm>>)
    %add3A_33 = arith.constant 64 : i32
    %add3A_34 = arith.addi %mul3A_2, %add3A_33 : i32
    "tpu.region"() ({
      %run_scoped3A = tpu.sem_alloc : memref<!tpu.dma_semaphore, #tpu.memory_space<semaphore_mem>>
      %dma_start3A_65 = arith.constant 0 : i32
      %dma_start3A_66 = tpu.memref_slice %arg2[%add3A_34, %dma_start3A_65] : memref<4096x1024xf32, #tpu.memory_space<hbm>> -> memref<64x1024xf32, #tpu.memory_space<hbm>>
      %dma_start3A_67 = arith.constant 0 : i32
      %dma_start3A_68 = tpu.memref_slice %arg2[%add3A_34, %dma_start3A_67] : memref<4096x1024xf32, #tpu.memory_space<hbm>> -> memref<64x1024xf32, #tpu.memory_space<hbm>>
      tpu.enqueue_dma source(%dma_start3A_68 : memref<64x1024xf32, #tpu.memory_space<hbm>>) target(%arg8 : memref<64x1024xf32, #tpu.memory_space<vmem>>) target_semaphore(%run_scoped3A : memref<!tpu.dma_semaphore, #tpu.memory_space<semaphore_mem>>)
      %dma_wait3A_69 = arith.constant 0 : i32
      %dma_wait3A_70 = tpu.memref_slice %arg2[%add3A_34, %dma_wait3A_69] : memref<4096x1024xf32, #tpu.memory_space<hbm>> -> memref<64x1024xf32, #tpu.memory_space<hbm>>
      %dma_wait3A_71 = arith.constant 0 : i32
      %dma_wait3A_72 = tpu.memref_slice %arg2[%add3A_34, %dma_wait3A_71] : memref<4096x1024xf32, #tpu.memory_space<hbm>> -> memref<64x1024xf32, #tpu.memory_space<hbm>>
      tpu.wait_dma2 semaphore(%run_scoped3A : memref<!tpu.dma_semaphore, #tpu.memory_space<semaphore_mem>>) src(%dma_wait3A_72 : memref<64x1024xf32, #tpu.memory_space<hbm>>) dst(%arg8 : memref<64x1024xf32, #tpu.memory_space<vmem>>)
      tpu.yield
    }) : () -> ()
    %dma_start3A_35 = arith.constant 1 : i32
    %dma_start3A_36 = arith.constant 0 : i32
    %dma_start3A_37 = tpu.memref_slice %arg7[%dma_start3A_35, %dma_start3A_36] : memref<2x64xi32, #tpu.memory_space<vmem>> -> memref<1x64xi32, #tpu.memory_space<vmem>>
    %dma_start3A_38 = tpu.memref_squeeze %dma_start3A_37 : memref<1x64xi32, #tpu.memory_space<vmem>> -> memref<64xi32, #tpu.memory_space<vmem>>
    %dma_start3A_39 = arith.constant 0 : i32
    %dma_start3A_40 = arith.constant 0 : i32
    %dma_start3A_41 = tpu.memref_slice %arg5[%dma_start3A_39, %dma_start3A_40] : memref<7680x1024xf32, #tpu.memory_space<hbm>> -> memref<7680x1024xf32, #tpu.memory_space<hbm>>
    tpu.enqueue_indirect_dma source(%arg8 : memref<64x1024xf32, #tpu.memory_space<vmem>>) target(%dma_start3A_41 : memref<7680x1024xf32, #tpu.memory_space<hbm>>) offsets(%dma_start3A_38 : memref<64xi32, #tpu.memory_space<vmem>>) semaphore(%arg10 : memref<!tpu.dma_semaphore, #tpu.memory_space<semaphore_mem>>)
    %dma_wait3A_42 = arith.constant 1 : i32
    %dma_wait3A_43 = arith.constant 0 : i32
    %dma_wait3A_44 = tpu.memref_slice %arg7[%dma_wait3A_42, %dma_wait3A_43] : memref<2x64xi32, #tpu.memory_space<vmem>> -> memref<1x64xi32, #tpu.memory_space<vmem>>
    %dma_wait3A_45 = tpu.memref_squeeze %dma_wait3A_44 : memref<1x64xi32, #tpu.memory_space<vmem>> -> memref<64xi32, #tpu.memory_space<vmem>>
    %dma_wait3A_46 = arith.constant 0 : i32
    %dma_wait3A_47 = arith.constant 0 : i32
    %dma_wait3A_48 = tpu.memref_slice %arg5[%dma_wait3A_46, %dma_wait3A_47] : memref<7680x1024xf32, #tpu.memory_space<hbm>> -> memref<7680x1024xf32, #tpu.memory_space<hbm>>
    tpu.wait_indirect_dma semaphore(%arg10 : memref<!tpu.dma_semaphore, #tpu.memory_space<semaphore_mem>>) src(%arg8 : memref<64x1024xf32, #tpu.memory_space<vmem>>) dst(%dma_wait3A_48 : memref<7680x1024xf32, #tpu.memory_space<hbm>>)
    %add3A_49 = arith.constant 64 : i32
    %add3A_50 = arith.addi %mul3A_2, %add3A_49 : i32
    "tpu.region"() ({
      %run_scoped3A = tpu.sem_alloc : memref<!tpu.dma_semaphore, #tpu.memory_space<semaphore_mem>>
      %dma_start3A_65 = arith.constant 0 : i32
      %dma_start3A_66 = tpu.memref_slice %arg3[%add3A_50, %dma_start3A_65] : memref<4096x128xf32, #tpu.memory_space<hbm>> -> memref<64x128xf32, #tpu.memory_space<hbm>>
      %dma_start3A_67 = arith.constant 0 : i32
      %dma_start3A_68 = tpu.memref_slice %arg3[%add3A_50, %dma_start3A_67] : memref<4096x128xf32, #tpu.memory_space<hbm>> -> memref<64x128xf32, #tpu.memory_space<hbm>>
      tpu.enqueue_dma source(%dma_start3A_68 : memref<64x128xf32, #tpu.memory_space<hbm>>) target(%arg9 : memref<64x128xf32, #tpu.memory_space<vmem>>) target_semaphore(%run_scoped3A : memref<!tpu.dma_semaphore, #tpu.memory_space<semaphore_mem>>)
      %dma_wait3A_69 = arith.constant 0 : i32
      %dma_wait3A_70 = tpu.memref_slice %arg3[%add3A_50, %dma_wait3A_69] : memref<4096x128xf32, #tpu.memory_space<hbm>> -> memref<64x128xf32, #tpu.memory_space<hbm>>
      %dma_wait3A_71 = arith.constant 0 : i32
      %dma_wait3A_72 = tpu.memref_slice %arg3[%add3A_50, %dma_wait3A_71] : memref<4096x128xf32, #tpu.memory_space<hbm>> -> memref<64x128xf32, #tpu.memory_space<hbm>>
      tpu.wait_dma2 semaphore(%run_scoped3A : memref<!tpu.dma_semaphore, #tpu.memory_space<semaphore_mem>>) src(%dma_wait3A_72 : memref<64x128xf32, #tpu.memory_space<hbm>>) dst(%arg9 : memref<64x128xf32, #tpu.memory_space<vmem>>)
      tpu.yield
    }) : () -> ()
    %dma_start3A_51 = arith.constant 1 : i32
    %dma_start3A_52 = arith.constant 0 : i32
    %dma_start3A_53 = tpu.memref_slice %arg7[%dma_start3A_51, %dma_start3A_52] : memref<2x64xi32, #tpu.memory_space<vmem>> -> memref<1x64xi32, #tpu.memory_space<vmem>>
    %dma_start3A_54 = tpu.memref_squeeze %dma_start3A_53 : memref<1x64xi32, #tpu.memory_space<vmem>> -> memref<64xi32, #tpu.memory_space<vmem>>
    %dma_start3A_55 = arith.constant 0 : i32
    %dma_start3A_56 = arith.constant 0 : i32
    %dma_start3A_57 = tpu.memref_slice %arg6[%dma_start3A_55, %dma_start3A_56] : memref<7680x128xf32, #tpu.memory_space<hbm>> -> memref<7680x128xf32, #tpu.memory_space<hbm>>
    tpu.enqueue_indirect_dma source(%arg9 : memref<64x128xf32, #tpu.memory_space<vmem>>) target(%dma_start3A_57 : memref<7680x128xf32, #tpu.memory_space<hbm>>) offsets(%dma_start3A_54 : memref<64xi32, #tpu.memory_space<vmem>>) semaphore(%arg10 : memref<!tpu.dma_semaphore, #tpu.memory_space<semaphore_mem>>)
    %dma_wait3A_58 = arith.constant 1 : i32
    %dma_wait3A_59 = arith.constant 0 : i32
    %dma_wait3A_60 = tpu.memref_slice %arg7[%dma_wait3A_58, %dma_wait3A_59] : memref<2x64xi32, #tpu.memory_space<vmem>> -> memref<1x64xi32, #tpu.memory_space<vmem>>
    %dma_wait3A_61 = tpu.memref_squeeze %dma_wait3A_60 : memref<1x64xi32, #tpu.memory_space<vmem>> -> memref<64xi32, #tpu.memory_space<vmem>>
    %dma_wait3A_62 = arith.constant 0 : i32
    %dma_wait3A_63 = arith.constant 0 : i32
    %dma_wait3A_64 = tpu.memref_slice %arg6[%dma_wait3A_62, %dma_wait3A_63] : memref<7680x128xf32, #tpu.memory_space<hbm>> -> memref<7680x128xf32, #tpu.memory_space<hbm>>
    tpu.wait_indirect_dma semaphore(%arg10 : memref<!tpu.dma_semaphore, #tpu.memory_space<semaphore_mem>>) src(%arg9 : memref<64x128xf32, #tpu.memory_space<vmem>>) dst(%dma_wait3A_64 : memref<7680x128xf32, #tpu.memory_space<hbm>>)
    return
  }
}

#map = affine_map<(d0, d1) -> (0, 0)>
#map1 = affine_map<(d0, d1) -> (0, 0, 0)>
module attributes {stable_mosaic.version = 14 : i64} {
  func.func @_combine_body(%arg0: i32, %arg1: i32, %arg2: memref<7680x1024xf32, #tpu.memory_space<hbm>>, %arg3: memref<32x2x64xi32, #tpu.memory_space<hbm>>, %arg4: memref<4096x1024xf32, #tpu.memory_space<hbm>>, %arg5: memref<2x64xi32, #tpu.memory_space<vmem>>, %arg6: memref<64x1024xf32, #tpu.memory_space<vmem>>, %arg7: memref<!tpu.dma_semaphore, #tpu.memory_space<semaphore_mem>>) attributes {dimension_semantics = [#tpu.dimension_semantics<core_parallel>, #tpu.dimension_semantics<subcore_parallel>], iteration_bounds = array<i64: 2, 16>, scalar_prefetch = 0 : i64, scratch_operands = 3 : i64, tpu.core_type = #tpu.core_type<sc_vector_subcore>, window_params = [{transform_indices = #map}, {transform_indices = #map1}, {transform_indices = #map}]} {
    %mul3A = arith.constant 16 : i32
    %mul3A_0 = arith.muli %arg0, %mul3A : i32
    %add3A = arith.addi %mul3A_0, %arg1 : i32
    %mul3A_1 = arith.constant 128 : i32
    %mul3A_2 = arith.muli %add3A, %mul3A_1 : i32
    "tpu.region"() ({
      %run_scoped3A = tpu.sem_alloc : memref<!tpu.dma_semaphore, #tpu.memory_space<semaphore_mem>>
      %dma_start3A_33 = arith.constant 0 : i32
      %dma_start3A_34 = arith.constant 0 : i32
      %dma_start3A_35 = tpu.memref_slice %arg3[%add3A, %dma_start3A_33, %dma_start3A_34] : memref<32x2x64xi32, #tpu.memory_space<hbm>> -> memref<1x2x64xi32, #tpu.memory_space<hbm>>
      %dma_start3A_36 = tpu.memref_squeeze %dma_start3A_35 : memref<1x2x64xi32, #tpu.memory_space<hbm>> -> memref<2x64xi32, #tpu.memory_space<hbm>>
      %dma_start3A_37 = arith.constant 0 : i32
      %dma_start3A_38 = arith.constant 0 : i32
      %dma_start3A_39 = tpu.memref_slice %arg3[%add3A, %dma_start3A_37, %dma_start3A_38] : memref<32x2x64xi32, #tpu.memory_space<hbm>> -> memref<1x2x64xi32, #tpu.memory_space<hbm>>
      %dma_start3A_40 = tpu.memref_squeeze %dma_start3A_39 : memref<1x2x64xi32, #tpu.memory_space<hbm>> -> memref<2x64xi32, #tpu.memory_space<hbm>>
      tpu.enqueue_dma source(%dma_start3A_40 : memref<2x64xi32, #tpu.memory_space<hbm>>) target(%arg5 : memref<2x64xi32, #tpu.memory_space<vmem>>) target_semaphore(%run_scoped3A : memref<!tpu.dma_semaphore, #tpu.memory_space<semaphore_mem>>)
      %dma_wait3A_41 = arith.constant 0 : i32
      %dma_wait3A_42 = arith.constant 0 : i32
      %dma_wait3A_43 = tpu.memref_slice %arg3[%add3A, %dma_wait3A_41, %dma_wait3A_42] : memref<32x2x64xi32, #tpu.memory_space<hbm>> -> memref<1x2x64xi32, #tpu.memory_space<hbm>>
      %dma_wait3A_44 = tpu.memref_squeeze %dma_wait3A_43 : memref<1x2x64xi32, #tpu.memory_space<hbm>> -> memref<2x64xi32, #tpu.memory_space<hbm>>
      %dma_wait3A_45 = arith.constant 0 : i32
      %dma_wait3A_46 = arith.constant 0 : i32
      %dma_wait3A_47 = tpu.memref_slice %arg3[%add3A, %dma_wait3A_45, %dma_wait3A_46] : memref<32x2x64xi32, #tpu.memory_space<hbm>> -> memref<1x2x64xi32, #tpu.memory_space<hbm>>
      %dma_wait3A_48 = tpu.memref_squeeze %dma_wait3A_47 : memref<1x2x64xi32, #tpu.memory_space<hbm>> -> memref<2x64xi32, #tpu.memory_space<hbm>>
      tpu.wait_dma2 semaphore(%run_scoped3A : memref<!tpu.dma_semaphore, #tpu.memory_space<semaphore_mem>>) src(%dma_wait3A_48 : memref<2x64xi32, #tpu.memory_space<hbm>>) dst(%arg5 : memref<2x64xi32, #tpu.memory_space<vmem>>)
      tpu.yield
    }) : () -> ()
    %dma_start3A = arith.constant 0 : i32
    %dma_start3A_3 = arith.constant 0 : i32
    %dma_start3A_4 = tpu.memref_slice %arg5[%dma_start3A, %dma_start3A_3] : memref<2x64xi32, #tpu.memory_space<vmem>> -> memref<1x64xi32, #tpu.memory_space<vmem>>
    %dma_start3A_5 = tpu.memref_squeeze %dma_start3A_4 : memref<1x64xi32, #tpu.memory_space<vmem>> -> memref<64xi32, #tpu.memory_space<vmem>>
    %dma_start3A_6 = arith.constant 0 : i32
    %dma_start3A_7 = arith.constant 0 : i32
    %dma_start3A_8 = tpu.memref_slice %arg2[%dma_start3A_6, %dma_start3A_7] : memref<7680x1024xf32, #tpu.memory_space<hbm>> -> memref<7680x1024xf32, #tpu.memory_space<hbm>>
    tpu.enqueue_indirect_dma source(%dma_start3A_8 : memref<7680x1024xf32, #tpu.memory_space<hbm>>) target(%arg6 : memref<64x1024xf32, #tpu.memory_space<vmem>>) offsets(%dma_start3A_5 : memref<64xi32, #tpu.memory_space<vmem>>) semaphore(%arg7 : memref<!tpu.dma_semaphore, #tpu.memory_space<semaphore_mem>>)
    %dma_wait3A = arith.constant 0 : i32
    %dma_wait3A_9 = arith.constant 0 : i32
    %dma_wait3A_10 = tpu.memref_slice %arg5[%dma_wait3A, %dma_wait3A_9] : memref<2x64xi32, #tpu.memory_space<vmem>> -> memref<1x64xi32, #tpu.memory_space<vmem>>
    %dma_wait3A_11 = tpu.memref_squeeze %dma_wait3A_10 : memref<1x64xi32, #tpu.memory_space<vmem>> -> memref<64xi32, #tpu.memory_space<vmem>>
    %dma_wait3A_12 = arith.constant 0 : i32
    %dma_wait3A_13 = arith.constant 0 : i32
    %dma_wait3A_14 = tpu.memref_slice %arg2[%dma_wait3A_12, %dma_wait3A_13] : memref<7680x1024xf32, #tpu.memory_space<hbm>> -> memref<7680x1024xf32, #tpu.memory_space<hbm>>
    tpu.wait_indirect_dma semaphore(%arg7 : memref<!tpu.dma_semaphore, #tpu.memory_space<semaphore_mem>>) src(%dma_wait3A_14 : memref<7680x1024xf32, #tpu.memory_space<hbm>>) dst(%arg6 : memref<64x1024xf32, #tpu.memory_space<vmem>>)
    %add3A_15 = arith.constant 0 : i32
    %add3A_16 = arith.addi %mul3A_2, %add3A_15 : i32
    "tpu.region"() ({
      %run_scoped3A = tpu.sem_alloc : memref<!tpu.dma_semaphore, #tpu.memory_space<semaphore_mem>>
      %dma_start3A_33 = arith.constant 0 : i32
      %dma_start3A_34 = tpu.memref_slice %arg4[%add3A_16, %dma_start3A_33] : memref<4096x1024xf32, #tpu.memory_space<hbm>> -> memref<64x1024xf32, #tpu.memory_space<hbm>>
      %dma_start3A_35 = arith.constant 0 : i32
      %dma_start3A_36 = tpu.memref_slice %arg4[%add3A_16, %dma_start3A_35] : memref<4096x1024xf32, #tpu.memory_space<hbm>> -> memref<64x1024xf32, #tpu.memory_space<hbm>>
      tpu.enqueue_dma source(%arg6 : memref<64x1024xf32, #tpu.memory_space<vmem>>) target(%dma_start3A_36 : memref<64x1024xf32, #tpu.memory_space<hbm>>) target_semaphore(%run_scoped3A : memref<!tpu.dma_semaphore, #tpu.memory_space<semaphore_mem>>)
      %dma_wait3A_37 = arith.constant 0 : i32
      %dma_wait3A_38 = tpu.memref_slice %arg4[%add3A_16, %dma_wait3A_37] : memref<4096x1024xf32, #tpu.memory_space<hbm>> -> memref<64x1024xf32, #tpu.memory_space<hbm>>
      %dma_wait3A_39 = arith.constant 0 : i32
      %dma_wait3A_40 = tpu.memref_slice %arg4[%add3A_16, %dma_wait3A_39] : memref<4096x1024xf32, #tpu.memory_space<hbm>> -> memref<64x1024xf32, #tpu.memory_space<hbm>>
      tpu.wait_dma2 semaphore(%run_scoped3A : memref<!tpu.dma_semaphore, #tpu.memory_space<semaphore_mem>>) src(%arg6 : memref<64x1024xf32, #tpu.memory_space<vmem>>) dst(%dma_wait3A_40 : memref<64x1024xf32, #tpu.memory_space<hbm>>)
      tpu.yield
    }) : () -> ()
    %dma_start3A_17 = arith.constant 1 : i32
    %dma_start3A_18 = arith.constant 0 : i32
    %dma_start3A_19 = tpu.memref_slice %arg5[%dma_start3A_17, %dma_start3A_18] : memref<2x64xi32, #tpu.memory_space<vmem>> -> memref<1x64xi32, #tpu.memory_space<vmem>>
    %dma_start3A_20 = tpu.memref_squeeze %dma_start3A_19 : memref<1x64xi32, #tpu.memory_space<vmem>> -> memref<64xi32, #tpu.memory_space<vmem>>
    %dma_start3A_21 = arith.constant 0 : i32
    %dma_start3A_22 = arith.constant 0 : i32
    %dma_start3A_23 = tpu.memref_slice %arg2[%dma_start3A_21, %dma_start3A_22] : memref<7680x1024xf32, #tpu.memory_space<hbm>> -> memref<7680x1024xf32, #tpu.memory_space<hbm>>
    tpu.enqueue_indirect_dma source(%dma_start3A_23 : memref<7680x1024xf32, #tpu.memory_space<hbm>>) target(%arg6 : memref<64x1024xf32, #tpu.memory_space<vmem>>) offsets(%dma_start3A_20 : memref<64xi32, #tpu.memory_space<vmem>>) semaphore(%arg7 : memref<!tpu.dma_semaphore, #tpu.memory_space<semaphore_mem>>)
    %dma_wait3A_24 = arith.constant 1 : i32
    %dma_wait3A_25 = arith.constant 0 : i32
    %dma_wait3A_26 = tpu.memref_slice %arg5[%dma_wait3A_24, %dma_wait3A_25] : memref<2x64xi32, #tpu.memory_space<vmem>> -> memref<1x64xi32, #tpu.memory_space<vmem>>
    %dma_wait3A_27 = tpu.memref_squeeze %dma_wait3A_26 : memref<1x64xi32, #tpu.memory_space<vmem>> -> memref<64xi32, #tpu.memory_space<vmem>>
    %dma_wait3A_28 = arith.constant 0 : i32
    %dma_wait3A_29 = arith.constant 0 : i32
    %dma_wait3A_30 = tpu.memref_slice %arg2[%dma_wait3A_28, %dma_wait3A_29] : memref<7680x1024xf32, #tpu.memory_space<hbm>> -> memref<7680x1024xf32, #tpu.memory_space<hbm>>
    tpu.wait_indirect_dma semaphore(%arg7 : memref<!tpu.dma_semaphore, #tpu.memory_space<semaphore_mem>>) src(%dma_wait3A_30 : memref<7680x1024xf32, #tpu.memory_space<hbm>>) dst(%arg6 : memref<64x1024xf32, #tpu.memory_space<vmem>>)
    %add3A_31 = arith.constant 64 : i32
    %add3A_32 = arith.addi %mul3A_2, %add3A_31 : i32
    "tpu.region"() ({
      %run_scoped3A = tpu.sem_alloc : memref<!tpu.dma_semaphore, #tpu.memory_space<semaphore_mem>>
      %dma_start3A_33 = arith.constant 0 : i32
      %dma_start3A_34 = tpu.memref_slice %arg4[%add3A_32, %dma_start3A_33] : memref<4096x1024xf32, #tpu.memory_space<hbm>> -> memref<64x1024xf32, #tpu.memory_space<hbm>>
      %dma_start3A_35 = arith.constant 0 : i32
      %dma_start3A_36 = tpu.memref_slice %arg4[%add3A_32, %dma_start3A_35] : memref<4096x1024xf32, #tpu.memory_space<hbm>> -> memref<64x1024xf32, #tpu.memory_space<hbm>>
      tpu.enqueue_dma source(%arg6 : memref<64x1024xf32, #tpu.memory_space<vmem>>) target(%dma_start3A_36 : memref<64x1024xf32, #tpu.memory_space<hbm>>) target_semaphore(%run_scoped3A : memref<!tpu.dma_semaphore, #tpu.memory_space<semaphore_mem>>)
      %dma_wait3A_37 = arith.constant 0 : i32
      %dma_wait3A_38 = tpu.memref_slice %arg4[%add3A_32, %dma_wait3A_37] : memref<4096x1024xf32, #tpu.memory_space<hbm>> -> memref<64x1024xf32, #tpu.memory_space<hbm>>
      %dma_wait3A_39 = arith.constant 0 : i32
      %dma_wait3A_40 = tpu.memref_slice %arg4[%add3A_32, %dma_wait3A_39] : memref<4096x1024xf32, #tpu.memory_space<hbm>> -> memref<64x1024xf32, #tpu.memory_space<hbm>>
      tpu.wait_dma2 semaphore(%run_scoped3A : memref<!tpu.dma_semaphore, #tpu.memory_space<semaphore_mem>>) src(%arg6 : memref<64x1024xf32, #tpu.memory_space<vmem>>) dst(%dma_wait3A_40 : memref<64x1024xf32, #tpu.memory_space<hbm>>)
      tpu.yield
    }) : () -> ()
    return
  }
}

module attributes {stable_mosaic.version = 14 : i64} {
  func.func @_router_body(%arg0: memref<4096x1024xf32, #tpu.memory_space<vmem>>, %arg1: memref<1024x8xf32, #tpu.memory_space<vmem>>, %arg2: memref<1x8xf32, #tpu.memory_space<vmem>>, %arg3: memref<4096x1xi32, #tpu.memory_space<vmem>>, %arg4: memref<4096x128xf32, #tpu.memory_space<vmem>>, %arg5: memref<8x32xi32, #tpu.memory_space<vmem>>) attributes {dimension_semantics = [], scalar_prefetch = 0 : i64, scratch_operands = 0 : i64, tpu.core_type = #tpu.core_type<tc>} {
    %get3A = arith.constant 0 : index
    %get3A_0 = arith.constant 0 : index
    %get3A_1 = vector.load %arg0[%get3A, %get3A_0] : memref<4096x1024xf32, #tpu.memory_space<vmem>>, vector<4096x1024xf32>
    %get3A_2 = arith.constant 0 : index
    %get3A_3 = arith.constant 0 : index
    %get3A_4 = vector.load %arg1[%get3A_2, %get3A_3] : memref<1024x8xf32, #tpu.memory_space<vmem>>, vector<1024x8xf32>
    %dot_general3A = arith.constant dense<0.000000e+00> : vector<4096x8xf32>
    %dot_general3A_5 = tpu.matmul %get3A_1, %get3A_4, %dot_general3A {dimension_numbers = #tpu.dot_dimension_numbers<[1], [0], [0], [1], [0, 0, 1, 1], [], []>, transpose_lhs_hint = false} : vector<4096x1024xf32>, vector<1024x8xf32>, vector<4096x8xf32> -> vector<4096x8xf32>
    %get3A_6 = arith.constant 0 : index
    %get3A_7 = arith.constant 0 : index
    %get3A_8 = vector.load %arg2[%get3A_6, %get3A_7] : memref<1x8xf32, #tpu.memory_space<vmem>>, vector<1x8xf32>
    %add3A = vector.broadcast %get3A_8 : vector<1x8xf32> to vector<4096x8xf32>
    %add3A_9 = arith.addf %dot_general3A_5, %add3A : vector<4096x8xf32>
    %reduce_max3A = arith.constant dense<0xFF800000> : vector<4096xf32>
    %reduce_max3A_10 = vector.multi_reduction <maximumf>, %add3A_9, %reduce_max3A [1] : vector<4096x8xf32> to vector<4096xf32>
    %broadcast_in_dim3A = vector.shape_cast %reduce_max3A_10 : vector<4096xf32> to vector<4096x1xf32>
    %sub3A = vector.broadcast %broadcast_in_dim3A : vector<4096x1xf32> to vector<4096x8xf32>
    %sub3A_11 = arith.subf %add3A_9, %sub3A : vector<4096x8xf32>
    %exp3A = math.exp %sub3A_11 : vector<4096x8xf32>
    %reduce_sum3A = arith.constant dense<0.000000e+00> : vector<4096xf32>
    %reduce_sum3A_12 = vector.multi_reduction <add>, %exp3A, %reduce_sum3A [1] : vector<4096x8xf32> to vector<4096xf32>
    %broadcast_in_dim3A_13 = vector.shape_cast %reduce_sum3A_12 : vector<4096xf32> to vector<4096x1xf32>
    %reduce_max3A_14 = arith.constant dense<0xFF800000> : vector<4096xf32>
    %reduce_max3A_15 = vector.multi_reduction <maximumf>, %exp3A, %reduce_max3A_14 [1] : vector<4096x8xf32> to vector<4096xf32>
    %broadcast_in_dim3A_16 = vector.shape_cast %reduce_max3A_15 : vector<4096xf32> to vector<4096x1xf32>
    %div3A = arith.divf %broadcast_in_dim3A_16, %broadcast_in_dim3A_13 : vector<4096x1xf32>
    %iota3A = tpu.iota {dimensions = array<i32: 1>} : vector<4096x8xi32>
    %eq3A = vector.broadcast %broadcast_in_dim3A_16 : vector<4096x1xf32> to vector<4096x8xf32>
    %eq3A_17 = arith.cmpf oeq, %exp3A, %eq3A : vector<4096x8xf32>
    %jit3A = arith.constant 8 : i32
    %broadcast_in_dim3A_18 = vector.broadcast %jit3A : i32 to vector<4096x8xi32>
    %select_n3A = arith.select %eq3A_17, %iota3A, %broadcast_in_dim3A_18 : vector<4096x8xi1>, vector<4096x8xi32>
    %reduce_min3A = arith.constant dense<2147483647> : vector<4096xi32>
    %reduce_min3A_19 = vector.multi_reduction <minsi>, %select_n3A, %reduce_min3A [1] : vector<4096x8xi32> to vector<4096xi32>
    %broadcast_in_dim3A_20 = vector.shape_cast %reduce_min3A_19 : vector<4096xi32> to vector<4096x1xi32>
    %eq3A_21 = vector.broadcast %broadcast_in_dim3A_20 : vector<4096x1xi32> to vector<4096x8xi32>
    %eq3A_22 = arith.cmpi eq, %iota3A, %eq3A_21 : vector<4096x8xi32>
    %convert_element_type3A = arith.extui %eq3A_22 : vector<4096x8xi1> to vector<4096x8xi32>
    %convert_element_type3A_23 = arith.sitofp %convert_element_type3A : vector<4096x8xi32> to vector<4096x8xf32>
    %broadcast_in_dim3A_24 = arith.constant 0.000000e+00 : f32
    %broadcast_in_dim3A_25 = vector.broadcast %broadcast_in_dim3A_24 : f32 to vector<1x8xf32>
    %slice3A = vector.extract_strided_slice %convert_element_type3A_23 {offsets = [0, 0], sizes = [4095, 8], strides = [1, 1]} : vector<4096x8xf32> to vector<4095x8xf32>
    %concatenate3A = tpu.concatenate %broadcast_in_dim3A_25, %slice3A in 0 : vector<1x8xf32>, vector<4095x8xf32> -> vector<4096x8xf32>
    %add3A_26 = arith.addf %convert_element_type3A_23, %concatenate3A : vector<4096x8xf32>
    %broadcast_in_dim3A_27 = arith.constant 0.000000e+00 : f32
    %broadcast_in_dim3A_28 = vector.broadcast %broadcast_in_dim3A_27 : f32 to vector<2x8xf32>
    %slice3A_29 = vector.extract_strided_slice %add3A_26 {offsets = [0, 0], sizes = [4094, 8], strides = [1, 1]} : vector<4096x8xf32> to vector<4094x8xf32>
    %concatenate3A_30 = tpu.concatenate %broadcast_in_dim3A_28, %slice3A_29 in 0 : vector<2x8xf32>, vector<4094x8xf32> -> vector<4096x8xf32>
    %add3A_31 = arith.addf %add3A_26, %concatenate3A_30 : vector<4096x8xf32>
    %broadcast_in_dim3A_32 = arith.constant 0.000000e+00 : f32
    %broadcast_in_dim3A_33 = vector.broadcast %broadcast_in_dim3A_32 : f32 to vector<4x8xf32>
    %slice3A_34 = vector.extract_strided_slice %add3A_31 {offsets = [0, 0], sizes = [4092, 8], strides = [1, 1]} : vector<4096x8xf32> to vector<4092x8xf32>
    %concatenate3A_35 = tpu.concatenate %broadcast_in_dim3A_33, %slice3A_34 in 0 : vector<4x8xf32>, vector<4092x8xf32> -> vector<4096x8xf32>
    %add3A_36 = arith.addf %add3A_31, %concatenate3A_35 : vector<4096x8xf32>
    %broadcast_in_dim3A_37 = arith.constant 0.000000e+00 : f32
    %broadcast_in_dim3A_38 = vector.broadcast %broadcast_in_dim3A_37 : f32 to vector<8x8xf32>
    %slice3A_39 = vector.extract_strided_slice %add3A_36 {offsets = [0, 0], sizes = [4088, 8], strides = [1, 1]} : vector<4096x8xf32> to vector<4088x8xf32>
    %concatenate3A_40 = tpu.concatenate %broadcast_in_dim3A_38, %slice3A_39 in 0 : vector<8x8xf32>, vector<4088x8xf32> -> vector<4096x8xf32>
    %add3A_41 = arith.addf %add3A_36, %concatenate3A_40 : vector<4096x8xf32>
    %broadcast_in_dim3A_42 = arith.constant 0.000000e+00 : f32
    %broadcast_in_dim3A_43 = vector.broadcast %broadcast_in_dim3A_42 : f32 to vector<16x8xf32>
    %slice3A_44 = vector.extract_strided_slice %add3A_41 {offsets = [0, 0], sizes = [4080, 8], strides = [1, 1]} : vector<4096x8xf32> to vector<4080x8xf32>
    %concatenate3A_45 = tpu.concatenate %broadcast_in_dim3A_43, %slice3A_44 in 0 : vector<16x8xf32>, vector<4080x8xf32> -> vector<4096x8xf32>
    %add3A_46 = arith.addf %add3A_41, %concatenate3A_45 : vector<4096x8xf32>
    %broadcast_in_dim3A_47 = arith.constant 0.000000e+00 : f32
    %broadcast_in_dim3A_48 = vector.broadcast %broadcast_in_dim3A_47 : f32 to vector<32x8xf32>
    %slice3A_49 = vector.extract_strided_slice %add3A_46 {offsets = [0, 0], sizes = [4064, 8], strides = [1, 1]} : vector<4096x8xf32> to vector<4064x8xf32>
    %concatenate3A_50 = tpu.concatenate %broadcast_in_dim3A_48, %slice3A_49 in 0 : vector<32x8xf32>, vector<4064x8xf32> -> vector<4096x8xf32>
    %add3A_51 = arith.addf %add3A_46, %concatenate3A_50 : vector<4096x8xf32>
    %broadcast_in_dim3A_52 = arith.constant 0.000000e+00 : f32
    %broadcast_in_dim3A_53 = vector.broadcast %broadcast_in_dim3A_52 : f32 to vector<64x8xf32>
    %slice3A_54 = vector.extract_strided_slice %add3A_51 {offsets = [0, 0], sizes = [4032, 8], strides = [1, 1]} : vector<4096x8xf32> to vector<4032x8xf32>
    %concatenate3A_55 = tpu.concatenate %broadcast_in_dim3A_53, %slice3A_54 in 0 : vector<64x8xf32>, vector<4032x8xf32> -> vector<4096x8xf32>
    %add3A_56 = arith.addf %add3A_51, %concatenate3A_55 : vector<4096x8xf32>
    %broadcast_in_dim3A_57 = arith.constant 0.000000e+00 : f32
    %broadcast_in_dim3A_58 = vector.broadcast %broadcast_in_dim3A_57 : f32 to vector<128x8xf32>
    %slice3A_59 = vector.extract_strided_slice %add3A_56 {offsets = [0, 0], sizes = [3968, 8], strides = [1, 1]} : vector<4096x8xf32> to vector<3968x8xf32>
    %concatenate3A_60 = tpu.concatenate %broadcast_in_dim3A_58, %slice3A_59 in 0 : vector<128x8xf32>, vector<3968x8xf32> -> vector<4096x8xf32>
    %add3A_61 = arith.addf %add3A_56, %concatenate3A_60 : vector<4096x8xf32>
    %broadcast_in_dim3A_62 = arith.constant 0.000000e+00 : f32
    %broadcast_in_dim3A_63 = vector.broadcast %broadcast_in_dim3A_62 : f32 to vector<256x8xf32>
    %slice3A_64 = vector.extract_strided_slice %add3A_61 {offsets = [0, 0], sizes = [3840, 8], strides = [1, 1]} : vector<4096x8xf32> to vector<3840x8xf32>
    %concatenate3A_65 = tpu.concatenate %broadcast_in_dim3A_63, %slice3A_64 in 0 : vector<256x8xf32>, vector<3840x8xf32> -> vector<4096x8xf32>
    %add3A_66 = arith.addf %add3A_61, %concatenate3A_65 : vector<4096x8xf32>
    %broadcast_in_dim3A_67 = arith.constant 0.000000e+00 : f32
    %broadcast_in_dim3A_68 = vector.broadcast %broadcast_in_dim3A_67 : f32 to vector<512x8xf32>
    %slice3A_69 = vector.extract_strided_slice %add3A_66 {offsets = [0, 0], sizes = [3584, 8], strides = [1, 1]} : vector<4096x8xf32> to vector<3584x8xf32>
    %concatenate3A_70 = tpu.concatenate %broadcast_in_dim3A_68, %slice3A_69 in 0 : vector<512x8xf32>, vector<3584x8xf32> -> vector<4096x8xf32>
    %add3A_71 = arith.addf %add3A_66, %concatenate3A_70 : vector<4096x8xf32>
    %broadcast_in_dim3A_72 = arith.constant 0.000000e+00 : f32
    %broadcast_in_dim3A_73 = vector.broadcast %broadcast_in_dim3A_72 : f32 to vector<1024x8xf32>
    %slice3A_74 = vector.extract_strided_slice %add3A_71 {offsets = [0, 0], sizes = [3072, 8], strides = [1, 1]} : vector<4096x8xf32> to vector<3072x8xf32>
    %concatenate3A_75 = tpu.concatenate %broadcast_in_dim3A_73, %slice3A_74 in 0 : vector<1024x8xf32>, vector<3072x8xf32> -> vector<4096x8xf32>
    %add3A_76 = arith.addf %add3A_71, %concatenate3A_75 : vector<4096x8xf32>
    %broadcast_in_dim3A_77 = arith.constant 0.000000e+00 : f32
    %broadcast_in_dim3A_78 = vector.broadcast %broadcast_in_dim3A_77 : f32 to vector<2048x8xf32>
    %slice3A_79 = vector.extract_strided_slice %add3A_76 {offsets = [0, 0], sizes = [2048, 8], strides = [1, 1]} : vector<4096x8xf32> to vector<2048x8xf32>
    %concatenate3A_80 = tpu.concatenate %broadcast_in_dim3A_78, %slice3A_79 in 0 : vector<2048x8xf32>, vector<2048x8xf32> -> vector<4096x8xf32>
    %add3A_81 = arith.addf %add3A_76, %concatenate3A_80 : vector<4096x8xf32>
    %slice3A_82 = vector.extract_strided_slice %add3A_81 {offsets = [4095, 0], sizes = [1, 8], strides = [1, 1]} : vector<4096x8xf32> to vector<1x8xf32>
    %mul3A = arith.constant 0.001953125 : f32
    %mul3A_83 = vector.broadcast %mul3A : f32 to vector<1x8xf32>
    %mul3A_84 = arith.mulf %slice3A_82, %mul3A_83 : vector<1x8xf32>
    %ceil3A = math.ceil %mul3A_84 : vector<1x8xf32>
    %broadcast_in_dim3A_85 = arith.constant 0.000000e+00 : f32
    %broadcast_in_dim3A_86 = vector.broadcast %broadcast_in_dim3A_85 : f32 to vector<1x1xf32>
    %slice3A_87 = vector.extract_strided_slice %ceil3A {offsets = [0, 0], sizes = [1, 7], strides = [1, 1]} : vector<1x8xf32> to vector<1x7xf32>
    %concatenate3A_88 = tpu.concatenate %broadcast_in_dim3A_86, %slice3A_87 in 1 : vector<1x1xf32>, vector<1x7xf32> -> vector<1x8xf32>
    %add3A_89 = arith.addf %ceil3A, %concatenate3A_88 : vector<1x8xf32>
    %broadcast_in_dim3A_90 = arith.constant 0.000000e+00 : f32
    %broadcast_in_dim3A_91 = vector.broadcast %broadcast_in_dim3A_90 : f32 to vector<1x2xf32>
    %slice3A_92 = vector.extract_strided_slice %add3A_89 {offsets = [0, 0], sizes = [1, 6], strides = [1, 1]} : vector<1x8xf32> to vector<1x6xf32>
    %concatenate3A_93 = tpu.concatenate %broadcast_in_dim3A_91, %slice3A_92 in 1 : vector<1x2xf32>, vector<1x6xf32> -> vector<1x8xf32>
    %add3A_94 = arith.addf %add3A_89, %concatenate3A_93 : vector<1x8xf32>
    %broadcast_in_dim3A_95 = arith.constant 0.000000e+00 : f32
    %broadcast_in_dim3A_96 = vector.broadcast %broadcast_in_dim3A_95 : f32 to vector<1x4xf32>
    %slice3A_97 = vector.extract_strided_slice %add3A_94 {offsets = [0, 0], sizes = [1, 4], strides = [1, 1]} : vector<1x8xf32> to vector<1x4xf32>
    %concatenate3A_98 = tpu.concatenate %broadcast_in_dim3A_96, %slice3A_97 in 1 : vector<1x4xf32>, vector<1x4xf32> -> vector<1x8xf32>
    %add3A_99 = arith.addf %add3A_94, %concatenate3A_98 : vector<1x8xf32>
    %sub3A_100 = arith.subf %add3A_99, %ceil3A : vector<1x8xf32>
    %gt3A = arith.constant 0.000000e+00 : f32
    %gt3A_101 = vector.broadcast %gt3A : f32 to vector<4096x8xf32>
    %gt3A_102 = arith.cmpf ogt, %convert_element_type3A_23, %gt3A_101 : vector<4096x8xf32>
    %jit3A_103 = arith.constant 0.000000e+00 : f32
    %broadcast_in_dim3A_104 = vector.broadcast %jit3A_103 : f32 to vector<4096x8xf32>
    %select_n3A_105 = arith.select %gt3A_102, %add3A_81, %broadcast_in_dim3A_104 : vector<4096x8xi1>, vector<4096x8xf32>
    %reduce_sum3A_106 = arith.constant dense<0.000000e+00> : vector<4096xf32>
    %reduce_sum3A_107 = vector.multi_reduction <add>, %select_n3A_105, %reduce_sum3A_106 [1] : vector<4096x8xf32> to vector<4096xf32>
    %broadcast_in_dim3A_108 = vector.shape_cast %reduce_sum3A_107 : vector<4096xf32> to vector<4096x1xf32>
    %gt3A_109 = arith.constant 0.000000e+00 : f32
    %gt3A_110 = vector.broadcast %gt3A_109 : f32 to vector<4096x8xf32>
    %gt3A_111 = arith.cmpf ogt, %convert_element_type3A_23, %gt3A_110 : vector<4096x8xf32>
    %mul3A_112 = arith.constant 5.120000e+02 : f32
    %mul3A_113 = vector.broadcast %mul3A_112 : f32 to vector<1x8xf32>
    %mul3A_114 = arith.mulf %sub3A_100, %mul3A_113 : vector<1x8xf32>
    %broadcast_in_dim3A_115 = vector.shape_cast %mul3A_114 : vector<1x8xf32> to vector<1x8xf32>
    %broadcast_in_dim3A_116 = vector.broadcast %broadcast_in_dim3A_115 : vector<1x8xf32> to vector<4096x8xf32>
    %jit3A_117 = arith.constant 0.000000e+00 : f32
    %broadcast_in_dim3A_118 = vector.broadcast %jit3A_117 : f32 to vector<4096x8xf32>
    %select_n3A_119 = arith.select %gt3A_111, %broadcast_in_dim3A_116, %broadcast_in_dim3A_118 : vector<4096x8xi1>, vector<4096x8xf32>
    %reduce_sum3A_120 = arith.constant dense<0.000000e+00> : vector<4096xf32>
    %reduce_sum3A_121 = vector.multi_reduction <add>, %select_n3A_119, %reduce_sum3A_120 [1] : vector<4096x8xf32> to vector<4096xf32>
    %broadcast_in_dim3A_122 = vector.shape_cast %reduce_sum3A_121 : vector<4096xf32> to vector<4096x1xf32>
    %add3A_123 = arith.addf %broadcast_in_dim3A_122, %broadcast_in_dim3A_108 : vector<4096x1xf32>
    %sub3A_124 = arith.constant 1.000000e+00 : f32
    %sub3A_125 = vector.broadcast %sub3A_124 : f32 to vector<4096x1xf32>
    %sub3A_126 = arith.subf %add3A_123, %sub3A_125 : vector<4096x1xf32>
    %convert_element_type3A_127 = arith.fptosi %sub3A_126 : vector<4096x1xf32> to vector<4096x1xi32>
    %swap3A = arith.constant 0 : index
    %swap3A_128 = arith.constant 0 : index
    %swap3A_129 = vector.load %arg3[%swap3A, %swap3A_128] : memref<4096x1xi32, #tpu.memory_space<vmem>>, vector<4096x1xi32>
    tpu.vector_store %arg3[%swap3A, %swap3A_128], %convert_element_type3A_127 {strides = array<i32>} : memref<4096x1xi32, #tpu.memory_space<vmem>>, vector<4096x1xi32>,
    %broadcast_in_dim3A_130 = vector.shape_cast %div3A : vector<4096x1xf32> to vector<4096x1xf32>
    %broadcast_in_dim3A_131 = vector.broadcast %broadcast_in_dim3A_130 : vector<4096x1xf32> to vector<4096x128xf32>
    %swap3A_132 = arith.constant 0 : index
    %swap3A_133 = arith.constant 0 : index
    %swap3A_134 = vector.load %arg4[%swap3A_132, %swap3A_133] : memref<4096x128xf32, #tpu.memory_space<vmem>>, vector<4096x128xf32>
    tpu.vector_store %arg4[%swap3A_132, %swap3A_133], %broadcast_in_dim3A_131 {strides = array<i32>} : memref<4096x128xf32, #tpu.memory_space<vmem>>, vector<4096x128xf32>,
    %iota3A_135 = tpu.iota {dimensions = array<i32: 1>} : vector<1x32xi32>
    %convert_element_type3A_136 = arith.sitofp %iota3A_135 : vector<1x32xi32> to vector<1x32xf32>
    %broadcast_in_dim3A_137 = arith.constant 0.000000e+00 : f32
    %broadcast_in_dim3A_138 = vector.broadcast %broadcast_in_dim3A_137 : f32 to vector<1x32xf32>
    %slice3A_139 = vector.extract_strided_slice %add3A_99 {offsets = [0, 0], sizes = [1, 1], strides = [1, 1]} : vector<1x8xf32> to vector<1x1xf32>
    %ge3A = vector.broadcast %slice3A_139 : vector<1x1xf32> to vector<1x32xf32>
    %ge3A_140 = arith.cmpf oge, %convert_element_type3A_136, %ge3A : vector<1x32xf32>
    %convert_element_type3A_141 = arith.extui %ge3A_140 : vector<1x32xi1> to vector<1x32xi32>
    %convert_element_type3A_142 = arith.sitofp %convert_element_type3A_141 : vector<1x32xi32> to vector<1x32xf32>
    %add3A_143 = arith.addf %broadcast_in_dim3A_138, %convert_element_type3A_142 : vector<1x32xf32>
    %slice3A_144 = vector.extract_strided_slice %add3A_99 {offsets = [0, 1], sizes = [1, 1], strides = [1, 1]} : vector<1x8xf32> to vector<1x1xf32>
    %ge3A_145 = vector.broadcast %slice3A_144 : vector<1x1xf32> to vector<1x32xf32>
    %ge3A_146 = arith.cmpf oge, %convert_element_type3A_136, %ge3A_145 : vector<1x32xf32>
    %convert_element_type3A_147 = arith.extui %ge3A_146 : vector<1x32xi1> to vector<1x32xi32>
    %convert_element_type3A_148 = arith.sitofp %convert_element_type3A_147 : vector<1x32xi32> to vector<1x32xf32>
    %add3A_149 = arith.addf %add3A_143, %convert_element_type3A_148 : vector<1x32xf32>
    %slice3A_150 = vector.extract_strided_slice %add3A_99 {offsets = [0, 2], sizes = [1, 1], strides = [1, 1]} : vector<1x8xf32> to vector<1x1xf32>
    %ge3A_151 = vector.broadcast %slice3A_150 : vector<1x1xf32> to vector<1x32xf32>
    %ge3A_152 = arith.cmpf oge, %convert_element_type3A_136, %ge3A_151 : vector<1x32xf32>
    %convert_element_type3A_153 = arith.extui %ge3A_152 : vector<1x32xi1> to vector<1x32xi32>
    %convert_element_type3A_154 = arith.sitofp %convert_element_type3A_153 : vector<1x32xi32> to vector<1x32xf32>
    %add3A_155 = arith.addf %add3A_149, %convert_element_type3A_154 : vector<1x32xf32>
    %slice3A_156 = vector.extract_strided_slice %add3A_99 {offsets = [0, 3], sizes = [1, 1], strides = [1, 1]} : vector<1x8xf32> to vector<1x1xf32>
    %ge3A_157 = vector.broadcast %slice3A_156 : vector<1x1xf32> to vector<1x32xf32>
    %ge3A_158 = arith.cmpf oge, %convert_element_type3A_136, %ge3A_157 : vector<1x32xf32>
    %convert_element_type3A_159 = arith.extui %ge3A_158 : vector<1x32xi1> to vector<1x32xi32>
    %convert_element_type3A_160 = arith.sitofp %convert_element_type3A_159 : vector<1x32xi32> to vector<1x32xf32>
    %add3A_161 = arith.addf %add3A_155, %convert_element_type3A_160 : vector<1x32xf32>
    %slice3A_162 = vector.extract_strided_slice %add3A_99 {offsets = [0, 4], sizes = [1, 1], strides = [1, 1]} : vector<1x8xf32> to vector<1x1xf32>
    %ge3A_163 = vector.broadcast %slice3A_162 : vector<1x1xf32> to vector<1x32xf32>
    %ge3A_164 = arith.cmpf oge, %convert_element_type3A_136, %ge3A_163 : vector<1x32xf32>
    %convert_element_type3A_165 = arith.extui %ge3A_164 : vector<1x32xi1> to vector<1x32xi32>
    %convert_element_type3A_166 = arith.sitofp %convert_element_type3A_165 : vector<1x32xi32> to vector<1x32xf32>
    %add3A_167 = arith.addf %add3A_161, %convert_element_type3A_166 : vector<1x32xf32>
    %slice3A_168 = vector.extract_strided_slice %add3A_99 {offsets = [0, 5], sizes = [1, 1], strides = [1, 1]} : vector<1x8xf32> to vector<1x1xf32>
    %ge3A_169 = vector.broadcast %slice3A_168 : vector<1x1xf32> to vector<1x32xf32>
    %ge3A_170 = arith.cmpf oge, %convert_element_type3A_136, %ge3A_169 : vector<1x32xf32>
    %convert_element_type3A_171 = arith.extui %ge3A_170 : vector<1x32xi1> to vector<1x32xi32>
    %convert_element_type3A_172 = arith.sitofp %convert_element_type3A_171 : vector<1x32xi32> to vector<1x32xf32>
    %add3A_173 = arith.addf %add3A_167, %convert_element_type3A_172 : vector<1x32xf32>
    %slice3A_174 = vector.extract_strided_slice %add3A_99 {offsets = [0, 6], sizes = [1, 1], strides = [1, 1]} : vector<1x8xf32> to vector<1x1xf32>
    %ge3A_175 = vector.broadcast %slice3A_174 : vector<1x1xf32> to vector<1x32xf32>
    %ge3A_176 = arith.cmpf oge, %convert_element_type3A_136, %ge3A_175 : vector<1x32xf32>
    %convert_element_type3A_177 = arith.extui %ge3A_176 : vector<1x32xi1> to vector<1x32xi32>
    %convert_element_type3A_178 = arith.sitofp %convert_element_type3A_177 : vector<1x32xi32> to vector<1x32xf32>
    %add3A_179 = arith.addf %add3A_173, %convert_element_type3A_178 : vector<1x32xf32>
    %slice3A_180 = vector.extract_strided_slice %add3A_99 {offsets = [0, 7], sizes = [1, 1], strides = [1, 1]} : vector<1x8xf32> to vector<1x1xf32>
    %ge3A_181 = vector.broadcast %slice3A_180 : vector<1x1xf32> to vector<1x32xf32>
    %ge3A_182 = arith.cmpf oge, %convert_element_type3A_136, %ge3A_181 : vector<1x32xf32>
    %convert_element_type3A_183 = arith.extui %ge3A_182 : vector<1x32xi1> to vector<1x32xi32>
    %convert_element_type3A_184 = arith.sitofp %convert_element_type3A_183 : vector<1x32xi32> to vector<1x32xf32>
    %add3A_185 = arith.addf %add3A_179, %convert_element_type3A_184 : vector<1x32xf32>
    %min3A = arith.constant 7.000000e+00 : f32
    %min3A_186 = vector.broadcast %min3A : f32 to vector<1x32xf32>
    %min3A_187 = arith.minimumf %add3A_185, %min3A_186 : vector<1x32xf32>
    %slice3A_188 = vector.extract_strided_slice %add3A_99 {offsets = [0, 7], sizes = [1, 1], strides = [1, 1]} : vector<1x8xf32> to vector<1x1xf32>
    %lt3A = vector.broadcast %slice3A_188 : vector<1x1xf32> to vector<1x32xf32>
    %lt3A_189 = arith.cmpf olt, %convert_element_type3A_136, %lt3A : vector<1x32xf32>
    %convert_element_type3A_190 = arith.extui %lt3A_189 : vector<1x32xi1> to vector<1x32xi32>
    %convert_element_type3A_191 = arith.sitofp %convert_element_type3A_190 : vector<1x32xi32> to vector<1x32xf32>
    %broadcast_in_dim3A_192 = arith.constant -1.000000e+00 : f32
    %broadcast_in_dim3A_193 = vector.broadcast %broadcast_in_dim3A_192 : f32 to vector<1x1xf32>
    %slice3A_194 = vector.extract_strided_slice %min3A_187 {offsets = [0, 0], sizes = [1, 31], strides = [1, 1]} : vector<1x32xf32> to vector<1x31xf32>
    %concatenate3A_195 = tpu.concatenate %broadcast_in_dim3A_193, %slice3A_194 in 1 : vector<1x1xf32>, vector<1x31xf32> -> vector<1x32xf32>
    %ne3A = arith.cmpf one, %min3A_187, %concatenate3A_195 : vector<1x32xf32>
    %convert_element_type3A_196 = arith.extui %ne3A : vector<1x32xi1> to vector<1x32xi32>
    %convert_element_type3A_197 = arith.sitofp %convert_element_type3A_196 : vector<1x32xi32> to vector<1x32xf32>
    %broadcast_in_dim3A_198 = arith.constant 0.000000e+00 : f32
    %broadcast_in_dim3A_199 = vector.broadcast %broadcast_in_dim3A_198 : f32 to vector<1x1xf32>
    %slice3A_200 = vector.extract_strided_slice %convert_element_type3A_197 {offsets = [0, 0], sizes = [1, 31], strides = [1, 1]} : vector<1x32xf32> to vector<1x31xf32>
    %concatenate3A_201 = tpu.concatenate %broadcast_in_dim3A_199, %slice3A_200 in 1 : vector<1x1xf32>, vector<1x31xf32> -> vector<1x32xf32>
    %add3A_202 = arith.addf %convert_element_type3A_197, %concatenate3A_201 : vector<1x32xf32>
    %broadcast_in_dim3A_203 = arith.constant 0.000000e+00 : f32
    %broadcast_in_dim3A_204 = vector.broadcast %broadcast_in_dim3A_203 : f32 to vector<1x2xf32>
    %slice3A_205 = vector.extract_strided_slice %add3A_202 {offsets = [0, 0], sizes = [1, 30], strides = [1, 1]} : vector<1x32xf32> to vector<1x30xf32>
    %concatenate3A_206 = tpu.concatenate %broadcast_in_dim3A_204, %slice3A_205 in 1 : vector<1x2xf32>, vector<1x30xf32> -> vector<1x32xf32>
    %add3A_207 = arith.addf %add3A_202, %concatenate3A_206 : vector<1x32xf32>
    %broadcast_in_dim3A_208 = arith.constant 0.000000e+00 : f32
    %broadcast_in_dim3A_209 = vector.broadcast %broadcast_in_dim3A_208 : f32 to vector<1x4xf32>
    %slice3A_210 = vector.extract_strided_slice %add3A_207 {offsets = [0, 0], sizes = [1, 28], strides = [1, 1]} : vector<1x32xf32> to vector<1x28xf32>
    %concatenate3A_211 = tpu.concatenate %broadcast_in_dim3A_209, %slice3A_210 in 1 : vector<1x4xf32>, vector<1x28xf32> -> vector<1x32xf32>
    %add3A_212 = arith.addf %add3A_207, %concatenate3A_211 : vector<1x32xf32>
    %broadcast_in_dim3A_213 = arith.constant 0.000000e+00 : f32
    %broadcast_in_dim3A_214 = vector.broadcast %broadcast_in_dim3A_213 : f32 to vector<1x8xf32>
    %slice3A_215 = vector.extract_strided_slice %add3A_212 {offsets = [0, 0], sizes = [1, 24], strides = [1, 1]} : vector<1x32xf32> to vector<1x24xf32>
    %concatenate3A_216 = tpu.concatenate %broadcast_in_dim3A_214, %slice3A_215 in 1 : vector<1x8xf32>, vector<1x24xf32> -> vector<1x32xf32>
    %add3A_217 = arith.addf %add3A_212, %concatenate3A_216 : vector<1x32xf32>
    %broadcast_in_dim3A_218 = arith.constant 0.000000e+00 : f32
    %broadcast_in_dim3A_219 = vector.broadcast %broadcast_in_dim3A_218 : f32 to vector<1x16xf32>
    %slice3A_220 = vector.extract_strided_slice %add3A_217 {offsets = [0, 0], sizes = [1, 16], strides = [1, 1]} : vector<1x32xf32> to vector<1x16xf32>
    %concatenate3A_221 = tpu.concatenate %broadcast_in_dim3A_219, %slice3A_220 in 1 : vector<1x16xf32>, vector<1x16xf32> -> vector<1x32xf32>
    %add3A_222 = arith.addf %add3A_217, %concatenate3A_221 : vector<1x32xf32>
    %sub3A_223 = arith.constant 1.000000e+00 : f32
    %sub3A_224 = vector.broadcast %sub3A_223 : f32 to vector<1x32xf32>
    %sub3A_225 = arith.subf %add3A_222, %sub3A_224 : vector<1x32xf32>
    %jit3A_226 = arith.constant 2.000000e+00 : f32
    %rem3A = vector.broadcast %jit3A_226 : f32 to vector<1x32xf32>
    %rem3A_227 = arith.remf %sub3A_225, %rem3A : vector<1x32xf32>
    %ne3A_228 = arith.constant 0.000000e+00 : f32
    %ne3A_229 = vector.broadcast %ne3A_228 : f32 to vector<1x32xf32>
    %ne3A_230 = arith.cmpf one, %rem3A_227, %ne3A_229 : vector<1x32xf32>
    %lt3A_231 = arith.constant 0.000000e+00 : f32
    %lt3A_232 = vector.broadcast %lt3A_231 : f32 to vector<1x32xf32>
    %lt3A_233 = arith.cmpf olt, %rem3A_227, %lt3A_232 : vector<1x32xf32>
    %lt3A_234 = arith.constant 0.000000e+00 : f32
    %lt3A_235 = arith.cmpf olt, %jit3A_226, %lt3A_234 : f32
    %ne3A_236 = vector.broadcast %lt3A_235 : i1 to vector<1x32xi1>
    %ne3A_237 = vector.broadcast %ne3A_236 : vector<1x32xi1> to vector<1x32xi1>
    %ne3A_238 = arith.xori %lt3A_233, %ne3A_237 : vector<1x32xi1>
    %and3A = arith.andi %ne3A_238, %ne3A_230 : vector<1x32xi1>
    %add3A_239 = vector.broadcast %jit3A_226 : f32 to vector<1x32xf32>
    %add3A_240 = arith.addf %rem3A_227, %add3A_239 : vector<1x32xf32>
    %select_n3A_241 = arith.select %and3A, %add3A_240, %rem3A_227 : vector<1x32xi1>, vector<1x32xf32>
    %gt3A_242 = arith.constant 0.000000e+00 : f32
    %gt3A_243 = vector.broadcast %gt3A_242 : f32 to vector<1x32xf32>
    %gt3A_244 = arith.cmpf ogt, %convert_element_type3A_197, %gt3A_243 : vector<1x32xf32>
    %jit3A_245 = arith.constant -1.000000e+00 : f32
    %broadcast_in_dim3A_246 = vector.broadcast %jit3A_245 : f32 to vector<1x32xf32>
    %select_n3A_247 = arith.select %gt3A_244, %convert_element_type3A_136, %broadcast_in_dim3A_246 : vector<1x32xi1>, vector<1x32xf32>
    %broadcast_in_dim3A_248 = arith.constant -1.000000e+00 : f32
    %broadcast_in_dim3A_249 = vector.broadcast %broadcast_in_dim3A_248 : f32 to vector<1x1xf32>
    %slice3A_250 = vector.extract_strided_slice %select_n3A_247 {offsets = [0, 0], sizes = [1, 31], strides = [1, 1]} : vector<1x32xf32> to vector<1x31xf32>
    %concatenate3A_251 = tpu.concatenate %broadcast_in_dim3A_249, %slice3A_250 in 1 : vector<1x1xf32>, vector<1x31xf32> -> vector<1x32xf32>
    %max3A = arith.maximumf %select_n3A_247, %concatenate3A_251 : vector<1x32xf32>
    %broadcast_in_dim3A_252 = arith.constant -1.000000e+00 : f32
    %broadcast_in_dim3A_253 = vector.broadcast %broadcast_in_dim3A_252 : f32 to vector<1x2xf32>
    %slice3A_254 = vector.extract_strided_slice %max3A {offsets = [0, 0], sizes = [1, 30], strides = [1, 1]} : vector<1x32xf32> to vector<1x30xf32>
    %concatenate3A_255 = tpu.concatenate %broadcast_in_dim3A_253, %slice3A_254 in 1 : vector<1x2xf32>, vector<1x30xf32> -> vector<1x32xf32>
    %max3A_256 = arith.maximumf %max3A, %concatenate3A_255 : vector<1x32xf32>
    %broadcast_in_dim3A_257 = arith.constant -1.000000e+00 : f32
    %broadcast_in_dim3A_258 = vector.broadcast %broadcast_in_dim3A_257 : f32 to vector<1x4xf32>
    %slice3A_259 = vector.extract_strided_slice %max3A_256 {offsets = [0, 0], sizes = [1, 28], strides = [1, 1]} : vector<1x32xf32> to vector<1x28xf32>
    %concatenate3A_260 = tpu.concatenate %broadcast_in_dim3A_258, %slice3A_259 in 1 : vector<1x4xf32>, vector<1x28xf32> -> vector<1x32xf32>
    %max3A_261 = arith.maximumf %max3A_256, %concatenate3A_260 : vector<1x32xf32>
    %broadcast_in_dim3A_262 = arith.constant -1.000000e+00 : f32
    %broadcast_in_dim3A_263 = vector.broadcast %broadcast_in_dim3A_262 : f32 to vector<1x8xf32>
    %slice3A_264 = vector.extract_strided_slice %max3A_261 {offsets = [0, 0], sizes = [1, 24], strides = [1, 1]} : vector<1x32xf32> to vector<1x24xf32>
    %concatenate3A_265 = tpu.concatenate %broadcast_in_dim3A_263, %slice3A_264 in 1 : vector<1x8xf32>, vector<1x24xf32> -> vector<1x32xf32>
    %max3A_266 = arith.maximumf %max3A_261, %concatenate3A_265 : vector<1x32xf32>
    %broadcast_in_dim3A_267 = arith.constant -1.000000e+00 : f32
    %broadcast_in_dim3A_268 = vector.broadcast %broadcast_in_dim3A_267 : f32 to vector<1x16xf32>
    %slice3A_269 = vector.extract_strided_slice %max3A_266 {offsets = [0, 0], sizes = [1, 16], strides = [1, 1]} : vector<1x32xf32> to vector<1x16xf32>
    %concatenate3A_270 = tpu.concatenate %broadcast_in_dim3A_268, %slice3A_269 in 1 : vector<1x16xf32>, vector<1x16xf32> -> vector<1x32xf32>
    %max3A_271 = arith.maximumf %max3A_266, %concatenate3A_270 : vector<1x32xf32>
    %gt3A_272 = arith.constant 0.000000e+00 : f32
    %gt3A_273 = vector.broadcast %gt3A_272 : f32 to vector<1x32xf32>
    %gt3A_274 = arith.cmpf ogt, %convert_element_type3A_197, %gt3A_273 : vector<1x32xf32>
    %jit3A_275 = arith.constant 1.000000e+04 : f32
    %broadcast_in_dim3A_276 = vector.broadcast %jit3A_275 : f32 to vector<1x32xf32>
    %select_n3A_277 = arith.select %gt3A_274, %convert_element_type3A_136, %broadcast_in_dim3A_276 : vector<1x32xi1>, vector<1x32xf32>
    %slice3A_278 = vector.extract_strided_slice %select_n3A_277 {offsets = [0, 1], sizes = [1, 31], strides = [1, 1]} : vector<1x32xf32> to vector<1x31xf32>
    %broadcast_in_dim3A_279 = arith.constant 1.000000e+04 : f32
    %broadcast_in_dim3A_280 = vector.broadcast %broadcast_in_dim3A_279 : f32 to vector<1x1xf32>
    %concatenate3A_281 = tpu.concatenate %slice3A_278, %broadcast_in_dim3A_280 in 1 : vector<1x31xf32>, vector<1x1xf32> -> vector<1x32xf32>
    %slice3A_282 = vector.extract_strided_slice %concatenate3A_281 {offsets = [0, 1], sizes = [1, 31], strides = [1, 1]} : vector<1x32xf32> to vector<1x31xf32>
    %broadcast_in_dim3A_283 = arith.constant 1.000000e+04 : f32
    %broadcast_in_dim3A_284 = vector.broadcast %broadcast_in_dim3A_283 : f32 to vector<1x1xf32>
    %concatenate3A_285 = tpu.concatenate %slice3A_282, %broadcast_in_dim3A_284 in 1 : vector<1x31xf32>, vector<1x1xf32> -> vector<1x32xf32>
    %min3A_286 = arith.minimumf %concatenate3A_281, %concatenate3A_285 : vector<1x32xf32>
    %slice3A_287 = vector.extract_strided_slice %min3A_286 {offsets = [0, 2], sizes = [1, 30], strides = [1, 1]} : vector<1x32xf32> to vector<1x30xf32>
    %broadcast_in_dim3A_288 = arith.constant 1.000000e+04 : f32
    %broadcast_in_dim3A_289 = vector.broadcast %broadcast_in_dim3A_288 : f32 to vector<1x2xf32>
    %concatenate3A_290 = tpu.concatenate %slice3A_287, %broadcast_in_dim3A_289 in 1 : vector<1x30xf32>, vector<1x2xf32> -> vector<1x32xf32>
    %min3A_291 = arith.minimumf %min3A_286, %concatenate3A_290 : vector<1x32xf32>
    %slice3A_292 = vector.extract_strided_slice %min3A_291 {offsets = [0, 4], sizes = [1, 28], strides = [1, 1]} : vector<1x32xf32> to vector<1x28xf32>
    %broadcast_in_dim3A_293 = arith.constant 1.000000e+04 : f32
    %broadcast_in_dim3A_294 = vector.broadcast %broadcast_in_dim3A_293 : f32 to vector<1x4xf32>
    %concatenate3A_295 = tpu.concatenate %slice3A_292, %broadcast_in_dim3A_294 in 1 : vector<1x28xf32>, vector<1x4xf32> -> vector<1x32xf32>
    %min3A_296 = arith.minimumf %min3A_291, %concatenate3A_295 : vector<1x32xf32>
    %slice3A_297 = vector.extract_strided_slice %min3A_296 {offsets = [0, 8], sizes = [1, 24], strides = [1, 1]} : vector<1x32xf32> to vector<1x24xf32>
    %broadcast_in_dim3A_298 = arith.constant 1.000000e+04 : f32
    %broadcast_in_dim3A_299 = vector.broadcast %broadcast_in_dim3A_298 : f32 to vector<1x8xf32>
    %concatenate3A_300 = tpu.concatenate %slice3A_297, %broadcast_in_dim3A_299 in 1 : vector<1x24xf32>, vector<1x8xf32> -> vector<1x32xf32>
    %min3A_301 = arith.minimumf %min3A_296, %concatenate3A_300 : vector<1x32xf32>
    %slice3A_302 = vector.extract_strided_slice %min3A_301 {offsets = [0, 16], sizes = [1, 16], strides = [1, 1]} : vector<1x32xf32> to vector<1x16xf32>
    %broadcast_in_dim3A_303 = arith.constant 1.000000e+04 : f32
    %broadcast_in_dim3A_304 = vector.broadcast %broadcast_in_dim3A_303 : f32 to vector<1x16xf32>
    %concatenate3A_305 = tpu.concatenate %slice3A_302, %broadcast_in_dim3A_304 in 1 : vector<1x16xf32>, vector<1x16xf32> -> vector<1x32xf32>
    %min3A_306 = arith.minimumf %min3A_301, %concatenate3A_305 : vector<1x32xf32>
    %sub3A_307 = arith.subf %convert_element_type3A_136, %max3A_271 : vector<1x32xf32>
    %min3A_308 = arith.constant 6.400000e+01 : f32
    %min3A_309 = vector.broadcast %min3A_308 : f32 to vector<1x32xf32>
    %min3A_310 = arith.minimumf %min3A_306, %min3A_309 : vector<1x32xf32>
    %sub3A_311 = arith.subf %min3A_310, %max3A_271 : vector<1x32xf32>
    %gt3A_312 = arith.constant 0.000000e+00 : f32
    %gt3A_313 = vector.broadcast %gt3A_312 : f32 to vector<1x32xf32>
    %gt3A_314 = arith.cmpf ogt, %convert_element_type3A_197, %gt3A_313 : vector<1x32xf32>
    %jit3A_315 = arith.constant 1.000000e+04 : f32
    %broadcast_in_dim3A_316 = vector.broadcast %jit3A_315 : f32 to vector<1x32xf32>
    %select_n3A_317 = arith.select %gt3A_314, %min3A_187, %broadcast_in_dim3A_316 : vector<1x32xi1>, vector<1x32xf32>
    %slice3A_318 = vector.extract_strided_slice %select_n3A_317 {offsets = [0, 1], sizes = [1, 31], strides = [1, 1]} : vector<1x32xf32> to vector<1x31xf32>
    %broadcast_in_dim3A_319 = arith.constant 1.000000e+04 : f32
    %broadcast_in_dim3A_320 = vector.broadcast %broadcast_in_dim3A_319 : f32 to vector<1x1xf32>
    %concatenate3A_321 = tpu.concatenate %slice3A_318, %broadcast_in_dim3A_320 in 1 : vector<1x31xf32>, vector<1x1xf32> -> vector<1x32xf32>
    %lt3A_322 = arith.constant 1.000000e+04 : f32
    %lt3A_323 = vector.broadcast %lt3A_322 : f32 to vector<1x32xf32>
    %lt3A_324 = arith.cmpf olt, %concatenate3A_321, %lt3A_323 : vector<1x32xf32>
    %slice3A_325 = vector.extract_strided_slice %concatenate3A_321 {offsets = [0, 1], sizes = [1, 31], strides = [1, 1]} : vector<1x32xf32> to vector<1x31xf32>
    %broadcast_in_dim3A_326 = arith.constant 1.000000e+04 : f32
    %broadcast_in_dim3A_327 = vector.broadcast %broadcast_in_dim3A_326 : f32 to vector<1x1xf32>
    %concatenate3A_328 = tpu.concatenate %slice3A_325, %broadcast_in_dim3A_327 in 1 : vector<1x31xf32>, vector<1x1xf32> -> vector<1x32xf32>
    %select_n3A_329 = arith.select %lt3A_324, %concatenate3A_321, %concatenate3A_328 : vector<1x32xi1>, vector<1x32xf32>
    %lt3A_330 = arith.constant 1.000000e+04 : f32
    %lt3A_331 = vector.broadcast %lt3A_330 : f32 to vector<1x32xf32>
    %lt3A_332 = arith.cmpf olt, %select_n3A_329, %lt3A_331 : vector<1x32xf32>
    %slice3A_333 = vector.extract_strided_slice %select_n3A_329 {offsets = [0, 2], sizes = [1, 30], strides = [1, 1]} : vector<1x32xf32> to vector<1x30xf32>
    %broadcast_in_dim3A_334 = arith.constant 1.000000e+04 : f32
    %broadcast_in_dim3A_335 = vector.broadcast %broadcast_in_dim3A_334 : f32 to vector<1x2xf32>
    %concatenate3A_336 = tpu.concatenate %slice3A_333, %broadcast_in_dim3A_335 in 1 : vector<1x30xf32>, vector<1x2xf32> -> vector<1x32xf32>
    %select_n3A_337 = arith.select %lt3A_332, %select_n3A_329, %concatenate3A_336 : vector<1x32xi1>, vector<1x32xf32>
    %lt3A_338 = arith.constant 1.000000e+04 : f32
    %lt3A_339 = vector.broadcast %lt3A_338 : f32 to vector<1x32xf32>
    %lt3A_340 = arith.cmpf olt, %select_n3A_337, %lt3A_339 : vector<1x32xf32>
    %slice3A_341 = vector.extract_strided_slice %select_n3A_337 {offsets = [0, 4], sizes = [1, 28], strides = [1, 1]} : vector<1x32xf32> to vector<1x28xf32>
    %broadcast_in_dim3A_342 = arith.constant 1.000000e+04 : f32
    %broadcast_in_dim3A_343 = vector.broadcast %broadcast_in_dim3A_342 : f32 to vector<1x4xf32>
    %concatenate3A_344 = tpu.concatenate %slice3A_341, %broadcast_in_dim3A_343 in 1 : vector<1x28xf32>, vector<1x4xf32> -> vector<1x32xf32>
    %select_n3A_345 = arith.select %lt3A_340, %select_n3A_337, %concatenate3A_344 : vector<1x32xi1>, vector<1x32xf32>
    %lt3A_346 = arith.constant 1.000000e+04 : f32
    %lt3A_347 = vector.broadcast %lt3A_346 : f32 to vector<1x32xf32>
    %lt3A_348 = arith.cmpf olt, %select_n3A_345, %lt3A_347 : vector<1x32xf32>
    %slice3A_349 = vector.extract_strided_slice %select_n3A_345 {offsets = [0, 8], sizes = [1, 24], strides = [1, 1]} : vector<1x32xf32> to vector<1x24xf32>
    %broadcast_in_dim3A_350 = arith.constant 1.000000e+04 : f32
    %broadcast_in_dim3A_351 = vector.broadcast %broadcast_in_dim3A_350 : f32 to vector<1x8xf32>
    %concatenate3A_352 = tpu.concatenate %slice3A_349, %broadcast_in_dim3A_351 in 1 : vector<1x24xf32>, vector<1x8xf32> -> vector<1x32xf32>
    %select_n3A_353 = arith.select %lt3A_348, %select_n3A_345, %concatenate3A_352 : vector<1x32xi1>, vector<1x32xf32>
    %lt3A_354 = arith.constant 1.000000e+04 : f32
    %lt3A_355 = vector.broadcast %lt3A_354 : f32 to vector<1x32xf32>
    %lt3A_356 = arith.cmpf olt, %select_n3A_353, %lt3A_355 : vector<1x32xf32>
    %slice3A_357 = vector.extract_strided_slice %select_n3A_353 {offsets = [0, 16], sizes = [1, 16], strides = [1, 1]} : vector<1x32xf32> to vector<1x16xf32>
    %broadcast_in_dim3A_358 = arith.constant 1.000000e+04 : f32
    %broadcast_in_dim3A_359 = vector.broadcast %broadcast_in_dim3A_358 : f32 to vector<1x16xf32>
    %concatenate3A_360 = tpu.concatenate %slice3A_357, %broadcast_in_dim3A_359 in 1 : vector<1x16xf32>, vector<1x16xf32> -> vector<1x32xf32>
    %select_n3A_361 = arith.select %lt3A_356, %select_n3A_353, %concatenate3A_360 : vector<1x32xi1>, vector<1x32xf32>
    %lt3A_362 = arith.constant 1.000000e+04 : f32
    %lt3A_363 = vector.broadcast %lt3A_362 : f32 to vector<1x32xf32>
    %lt3A_364 = arith.cmpf olt, %select_n3A_361, %lt3A_363 : vector<1x32xf32>
    %select_n3A_365 = arith.select %lt3A_364, %select_n3A_361, %min3A_187 : vector<1x32xi1>, vector<1x32xf32>
    %mul3A_366 = arith.constant 4.000000e+00 : f32
    %mul3A_367 = vector.broadcast %mul3A_366 : f32 to vector<1x32xf32>
    %mul3A_368 = arith.mulf %mul3A_367, %sub3A_307 : vector<1x32xf32>
    %div3A_369 = arith.divf %mul3A_368, %sub3A_311 : vector<1x32xf32>
    %floor3A = math.floor %div3A_369 : vector<1x32xf32>
    %add3A_370 = arith.constant 1.000000e+00 : f32
    %add3A_371 = vector.broadcast %add3A_370 : f32 to vector<1x32xf32>
    %add3A_372 = arith.addf %sub3A_307, %add3A_371 : vector<1x32xf32>
    %mul3A_373 = arith.constant 4.000000e+00 : f32
    %mul3A_374 = vector.broadcast %mul3A_373 : f32 to vector<1x32xf32>
    %mul3A_375 = arith.mulf %mul3A_374, %add3A_372 : vector<1x32xf32>
    %div3A_376 = arith.divf %mul3A_375, %sub3A_311 : vector<1x32xf32>
    %floor3A_377 = math.floor %div3A_376 : vector<1x32xf32>
    %lt3A_378 = arith.constant 1.000000e+04 : f32
    %lt3A_379 = vector.broadcast %lt3A_378 : f32 to vector<1x32xf32>
    %lt3A_380 = arith.cmpf olt, %select_n3A_361, %lt3A_379 : vector<1x32xf32>
    %sub3A_381 = arith.subf %floor3A_377, %floor3A : vector<1x32xf32>
    %jit3A_382 = arith.constant 0.000000e+00 : f32
    %broadcast_in_dim3A_383 = vector.broadcast %jit3A_382 : f32 to vector<1x32xf32>
    %select_n3A_384 = arith.select %lt3A_380, %sub3A_381, %broadcast_in_dim3A_383 : vector<1x32xi1>, vector<1x32xf32>
    %concatenate3A_385 = tpu.concatenate %min3A_187, %convert_element_type3A_191, %convert_element_type3A_197, %select_n3A_241, %select_n3A_365, %floor3A, %select_n3A_384, %select_n3A_384 in 0 : vector<1x32xf32>, vector<1x32xf32>, vector<1x32xf32>, vector<1x32xf32>, vector<1x32xf32>, vector<1x32xf32>, vector<1x32xf32>, vector<1x32xf32> -> vector<8x32xf32>
    %convert_element_type3A_386 = arith.fptosi %concatenate3A_385 : vector<8x32xf32> to vector<8x32xi32>
    %swap3A_387 = arith.constant 0 : index
    %swap3A_388 = arith.constant 0 : index
    %swap3A_389 = vector.load %arg5[%swap3A_387, %swap3A_388] : memref<8x32xi32, #tpu.memory_space<vmem>>, vector<8x32xi32>
    tpu.vector_store %arg5[%swap3A_387, %swap3A_388], %convert_element_type3A_386 {strides = array<i32>} : memref<8x32xi32, #tpu.memory_space<vmem>>, vector<8x32xi32>,
    return
  }
}

module attributes {stable_mosaic.version = 14 : i64} {
  func.func @_ffn_body(%arg0: i32, %arg1: i32, %arg2: memref<256xi32, #tpu.memory_space<smem>>, %arg3: memref<512x1024xf32, #tpu.memory_space<vmem>>, %arg4: memref<1x1024x1024xf32, #tpu.memory_space<vmem>>, %arg5: memref<1x1x4096xf32, #tpu.memory_space<vmem>>, %arg6: memref<1x1024x1024xf32, #tpu.memory_space<vmem>>, %arg7: memref<1x1x1024xf32, #tpu.memory_space<vmem>>, %arg8: memref<512x128xf32, #tpu.memory_space<vmem>>, %arg9: memref<512x1024xf32, #tpu.memory_space<vmem>>, %arg10: memref<1024x4096xbf16, #tpu.memory_space<vmem>>, %arg11: memref<4096x1024xbf16, #tpu.memory_space<vmem>>, %arg12: memref<1024x4096xbf16, #tpu.memory_space<vmem>>, %arg13: memref<4096x1024xbf16, #tpu.memory_space<vmem>>, %arg14: memref<512x4096xbf16, #tpu.memory_space<vmem>>) attributes {dimension_semantics = [#tpu.dimension_semantics<arbitrary>, #tpu.dimension_semantics<arbitrary>], iteration_bounds = array<i64: 16, 4>, scalar_prefetch = 1 : i64, scratch_operands = 5 : i64, tpu.core_type = #tpu.core_type<tc>, window_params = [{transform_indices = @transform_0, window_bounds = array<i64: 512, 1024>}, {transform_indices = @transform_1, window_bounds = array<i64: 1, 1024, 1024>}, {transform_indices = @transform_2, window_bounds = array<i64: 1, 1, 4096>}, {transform_indices = @transform_3, window_bounds = array<i64: 1, 1024, 1024>}, {transform_indices = @transform_4, window_bounds = array<i64: 1, 1, 1024>}, {transform_indices = @transform_5, window_bounds = array<i64: 512, 128>}, {transform_indices = @transform_6, window_bounds = array<i64: 512, 1024>}]} {
    %sub3A = arith.constant 1 : i32
    %sub3A_0 = arith.subi %arg0, %sub3A : i32
    %max3A = arith.constant 0 : i32
    %max3A_1 = arith.maxsi %sub3A_0, %max3A : i32
    %ge3A = arith.constant 1 : i32
    %ge3A_2 = arith.cmpi sge, %arg0, %ge3A : i32
    %add3A = arith.constant 32 : i32
    %add3A_3 = arith.addi %add3A, %max3A_1 : i32
    %get3A = arith.index_cast %add3A_3 : i32 to index
    %get3A_4 = memref.load %arg2[%get3A] : memref<256xi32, #tpu.memory_space<smem>>
    %eq3A = arith.constant 1 : i32
    %eq3A_5 = arith.cmpi eq, %get3A_4, %eq3A : i32
    %and3A = arith.andi %ge3A_2, %eq3A_5 : i1
    %add3A_6 = arith.constant 96 : i32
    %add3A_7 = arith.addi %add3A_6, %max3A_1 : i32
    %get3A_8 = arith.index_cast %add3A_7 : i32 to index
    %get3A_9 = memref.load %arg2[%get3A_8] : memref<256xi32, #tpu.memory_space<smem>>
    %sub3A_10 = arith.constant 1 : i32
    %sub3A_11 = arith.subi %sub3A_10, %get3A_9 : i32
    %add3A_12 = arith.constant 160 : i32
    %add3A_13 = arith.addi %add3A_12, %max3A_1 : i32
    %get3A_14 = arith.index_cast %add3A_13 : i32 to index
    %get3A_15 = memref.load %arg2[%get3A_14] : memref<256xi32, #tpu.memory_space<smem>>
    %add3A_16 = arith.constant 192 : i32
    %add3A_17 = arith.addi %add3A_16, %max3A_1 : i32
    %get3A_18 = arith.index_cast %add3A_17 : i32 to index
    %get3A_19 = memref.load %arg2[%get3A_18] : memref<256xi32, #tpu.memory_space<smem>>
    %add3A_20 = arith.addi %get3A_15, %arg1 : i32
    %ge3A_21 = arith.constant 1 : i32
    %ge3A_22 = arith.cmpi sge, %arg0, %ge3A_21 : i32
    %lt3A = arith.cmpi slt, %arg1, %get3A_19 : i32
    %and3A_23 = arith.andi %ge3A_22, %lt3A : i1
    %eq3A_24 = arith.constant 0 : i32
    %eq3A_25 = arith.cmpi eq, %arg0, %eq3A_24 : i32
    %or3A = arith.ori %and3A_23, %eq3A_25 : i1
    %eq3A_26 = arith.constant 0 : i32
    %eq3A_27 = arith.cmpi eq, %arg0, %eq3A_26 : i32
    %select_n3A = arith.select %eq3A_27, %arg1, %add3A_20 : i32
    %eq3A_28 = arith.constant 0 : i32
    %eq3A_29 = arith.cmpi eq, %arg0, %eq3A_28 : i32
    %jit3A = arith.constant 0 : i32
    %select_n3A_30 = arith.select %eq3A_29, %jit3A, %sub3A_11 : i32
    %eq3A_31 = arith.constant 0 : i32
    %eq3A_32 = arith.cmpi eq, %select_n3A_30, %eq3A_31 : i32
    %and3A_33 = arith.andi %or3A, %eq3A_32 : i1
    %eq3A_34 = arith.constant 0 : i32
    %eq3A_35 = arith.cmpi eq, %select_n3A, %eq3A_34 : i32
    %and3A_36 = arith.andi %and3A_33, %eq3A_35 : i1
    %convert_element_type3A = arith.extui %and3A_36 : i1 to i32
    %cond3A = arith.constant 0 : i32
    %cond3A_37 = arith.cmpi ne, %convert_element_type3A, %cond3A : i32
    scf.if %cond3A_37 {
      %get3A_207 = arith.constant 0 : index
      %get3A_208 = arith.constant 0 : index
      %get3A_209 = arith.constant 0 : index
      %get3A_210 = vector.load %arg4[%get3A_207, %get3A_208, %get3A_209] : memref<1x1024x1024xf32, #tpu.memory_space<vmem>>, vector<1x1024x1024xf32>
      %get3A_211 = vector.shape_cast %get3A_210 : vector<1x1024x1024xf32> to vector<1024x1024xf32>
      %convert_element_type3A_212 = arith.truncf %get3A_211 : vector<1024x1024xf32> to vector<1024x1024xbf16>
      %swap3A = arith.constant 0 : index
      %swap3A_213 = arith.constant 0 : index
      %swap3A_214 = vector.load %arg10[%swap3A, %swap3A_213] : memref<1024x4096xbf16, #tpu.memory_space<vmem>>, vector<1024x1024xbf16>
      tpu.vector_store %arg10[%swap3A, %swap3A_213], %convert_element_type3A_212 {strides = array<i32>} : memref<1024x4096xbf16, #tpu.memory_space<vmem>>, vector<1024x1024xbf16>,
    } else {
    }
    %eq3A_38 = arith.constant 0 : i32
    %eq3A_39 = arith.cmpi eq, %select_n3A, %eq3A_38 : i32
    %and3A_40 = arith.andi %and3A_33, %eq3A_39 : i1
    %convert_element_type3A_41 = arith.extui %and3A_40 : i1 to i32
    %cond3A_42 = arith.constant 0 : i32
    %cond3A_43 = arith.cmpi ne, %convert_element_type3A_41, %cond3A_42 : i32
    scf.if %cond3A_43 {
      %get3A_207 = arith.constant 0 : index
      %get3A_208 = arith.constant 0 : index
      %get3A_209 = arith.constant 0 : index
      %get3A_210 = vector.load %arg6[%get3A_207, %get3A_208, %get3A_209] : memref<1x1024x1024xf32, #tpu.memory_space<vmem>>, vector<1x1024x1024xf32>
      %get3A_211 = vector.shape_cast %get3A_210 : vector<1x1024x1024xf32> to vector<1024x1024xf32>
      %convert_element_type3A_212 = arith.truncf %get3A_211 : vector<1024x1024xf32> to vector<1024x1024xbf16>
      %swap3A = arith.constant 0 : index
      %swap3A_213 = arith.constant 0 : index
      %swap3A_214 = vector.load %arg11[%swap3A, %swap3A_213] : memref<4096x1024xbf16, #tpu.memory_space<vmem>>, vector<1024x1024xbf16>
      tpu.vector_store %arg11[%swap3A, %swap3A_213], %convert_element_type3A_212 {strides = array<i32>} : memref<4096x1024xbf16, #tpu.memory_space<vmem>>, vector<1024x1024xbf16>,
    } else {
    }
    %eq3A_44 = arith.constant 1 : i32
    %eq3A_45 = arith.cmpi eq, %select_n3A, %eq3A_44 : i32
    %and3A_46 = arith.andi %and3A_33, %eq3A_45 : i1
    %convert_element_type3A_47 = arith.extui %and3A_46 : i1 to i32
    %cond3A_48 = arith.constant 0 : i32
    %cond3A_49 = arith.cmpi ne, %convert_element_type3A_47, %cond3A_48 : i32
    scf.if %cond3A_49 {
      %get3A_207 = arith.constant 0 : index
      %get3A_208 = arith.constant 0 : index
      %get3A_209 = arith.constant 0 : index
      %get3A_210 = vector.load %arg4[%get3A_207, %get3A_208, %get3A_209] : memref<1x1024x1024xf32, #tpu.memory_space<vmem>>, vector<1x1024x1024xf32>
      %get3A_211 = vector.shape_cast %get3A_210 : vector<1x1024x1024xf32> to vector<1024x1024xf32>
      %convert_element_type3A_212 = arith.truncf %get3A_211 : vector<1024x1024xf32> to vector<1024x1024xbf16>
      %swap3A = arith.constant 0 : index
      %swap3A_213 = arith.constant 1024 : index
      %swap3A_214 = vector.load %arg10[%swap3A, %swap3A_213] : memref<1024x4096xbf16, #tpu.memory_space<vmem>>, vector<1024x1024xbf16>
      tpu.vector_store %arg10[%swap3A, %swap3A_213], %convert_element_type3A_212 {strides = array<i32>} : memref<1024x4096xbf16, #tpu.memory_space<vmem>>, vector<1024x1024xbf16>,
    } else {
    }
    %eq3A_50 = arith.constant 1 : i32
    %eq3A_51 = arith.cmpi eq, %select_n3A, %eq3A_50 : i32
    %and3A_52 = arith.andi %and3A_33, %eq3A_51 : i1
    %convert_element_type3A_53 = arith.extui %and3A_52 : i1 to i32
    %cond3A_54 = arith.constant 0 : i32
    %cond3A_55 = arith.cmpi ne, %convert_element_type3A_53, %cond3A_54 : i32
    scf.if %cond3A_55 {
      %get3A_207 = arith.constant 0 : index
      %get3A_208 = arith.constant 0 : index
      %get3A_209 = arith.constant 0 : index
      %get3A_210 = vector.load %arg6[%get3A_207, %get3A_208, %get3A_209] : memref<1x1024x1024xf32, #tpu.memory_space<vmem>>, vector<1x1024x1024xf32>
      %get3A_211 = vector.shape_cast %get3A_210 : vector<1x1024x1024xf32> to vector<1024x1024xf32>
      %convert_element_type3A_212 = arith.truncf %get3A_211 : vector<1024x1024xf32> to vector<1024x1024xbf16>
      %swap3A = arith.constant 1024 : index
      %swap3A_213 = arith.constant 0 : index
      %swap3A_214 = vector.load %arg11[%swap3A, %swap3A_213] : memref<4096x1024xbf16, #tpu.memory_space<vmem>>, vector<1024x1024xbf16>
      tpu.vector_store %arg11[%swap3A, %swap3A_213], %convert_element_type3A_212 {strides = array<i32>} : memref<4096x1024xbf16, #tpu.memory_space<vmem>>, vector<1024x1024xbf16>,
    } else {
    }
    %eq3A_56 = arith.constant 2 : i32
    %eq3A_57 = arith.cmpi eq, %select_n3A, %eq3A_56 : i32
    %and3A_58 = arith.andi %and3A_33, %eq3A_57 : i1
    %convert_element_type3A_59 = arith.extui %and3A_58 : i1 to i32
    %cond3A_60 = arith.constant 0 : i32
    %cond3A_61 = arith.cmpi ne, %convert_element_type3A_59, %cond3A_60 : i32
    scf.if %cond3A_61 {
      %get3A_207 = arith.constant 0 : index
      %get3A_208 = arith.constant 0 : index
      %get3A_209 = arith.constant 0 : index
      %get3A_210 = vector.load %arg4[%get3A_207, %get3A_208, %get3A_209] : memref<1x1024x1024xf32, #tpu.memory_space<vmem>>, vector<1x1024x1024xf32>
      %get3A_211 = vector.shape_cast %get3A_210 : vector<1x1024x1024xf32> to vector<1024x1024xf32>
      %convert_element_type3A_212 = arith.truncf %get3A_211 : vector<1024x1024xf32> to vector<1024x1024xbf16>
      %swap3A = arith.constant 0 : index
      %swap3A_213 = arith.constant 2048 : index
      %swap3A_214 = vector.load %arg10[%swap3A, %swap3A_213] : memref<1024x4096xbf16, #tpu.memory_space<vmem>>, vector<1024x1024xbf16>
      tpu.vector_store %arg10[%swap3A, %swap3A_213], %convert_element_type3A_212 {strides = array<i32>} : memref<1024x4096xbf16, #tpu.memory_space<vmem>>, vector<1024x1024xbf16>,
    } else {
    }
    %eq3A_62 = arith.constant 2 : i32
    %eq3A_63 = arith.cmpi eq, %select_n3A, %eq3A_62 : i32
    %and3A_64 = arith.andi %and3A_33, %eq3A_63 : i1
    %convert_element_type3A_65 = arith.extui %and3A_64 : i1 to i32
    %cond3A_66 = arith.constant 0 : i32
    %cond3A_67 = arith.cmpi ne, %convert_element_type3A_65, %cond3A_66 : i32
    scf.if %cond3A_67 {
      %get3A_207 = arith.constant 0 : index
      %get3A_208 = arith.constant 0 : index
      %get3A_209 = arith.constant 0 : index
      %get3A_210 = vector.load %arg6[%get3A_207, %get3A_208, %get3A_209] : memref<1x1024x1024xf32, #tpu.memory_space<vmem>>, vector<1x1024x1024xf32>
      %get3A_211 = vector.shape_cast %get3A_210 : vector<1x1024x1024xf32> to vector<1024x1024xf32>
      %convert_element_type3A_212 = arith.truncf %get3A_211 : vector<1024x1024xf32> to vector<1024x1024xbf16>
      %swap3A = arith.constant 2048 : index
      %swap3A_213 = arith.constant 0 : index
      %swap3A_214 = vector.load %arg11[%swap3A, %swap3A_213] : memref<4096x1024xbf16, #tpu.memory_space<vmem>>, vector<1024x1024xbf16>
      tpu.vector_store %arg11[%swap3A, %swap3A_213], %convert_element_type3A_212 {strides = array<i32>} : memref<4096x1024xbf16, #tpu.memory_space<vmem>>, vector<1024x1024xbf16>,
    } else {
    }
    %eq3A_68 = arith.constant 3 : i32
    %eq3A_69 = arith.cmpi eq, %select_n3A, %eq3A_68 : i32
    %and3A_70 = arith.andi %and3A_33, %eq3A_69 : i1
    %convert_element_type3A_71 = arith.extui %and3A_70 : i1 to i32
    %cond3A_72 = arith.constant 0 : i32
    %cond3A_73 = arith.cmpi ne, %convert_element_type3A_71, %cond3A_72 : i32
    scf.if %cond3A_73 {
      %get3A_207 = arith.constant 0 : index
      %get3A_208 = arith.constant 0 : index
      %get3A_209 = arith.constant 0 : index
      %get3A_210 = vector.load %arg4[%get3A_207, %get3A_208, %get3A_209] : memref<1x1024x1024xf32, #tpu.memory_space<vmem>>, vector<1x1024x1024xf32>
      %get3A_211 = vector.shape_cast %get3A_210 : vector<1x1024x1024xf32> to vector<1024x1024xf32>
      %convert_element_type3A_212 = arith.truncf %get3A_211 : vector<1024x1024xf32> to vector<1024x1024xbf16>
      %swap3A = arith.constant 0 : index
      %swap3A_213 = arith.constant 3072 : index
      %swap3A_214 = vector.load %arg10[%swap3A, %swap3A_213] : memref<1024x4096xbf16, #tpu.memory_space<vmem>>, vector<1024x1024xbf16>
      tpu.vector_store %arg10[%swap3A, %swap3A_213], %convert_element_type3A_212 {strides = array<i32>} : memref<1024x4096xbf16, #tpu.memory_space<vmem>>, vector<1024x1024xbf16>,
    } else {
    }
    %eq3A_74 = arith.constant 3 : i32
    %eq3A_75 = arith.cmpi eq, %select_n3A, %eq3A_74 : i32
    %and3A_76 = arith.andi %and3A_33, %eq3A_75 : i1
    %convert_element_type3A_77 = arith.extui %and3A_76 : i1 to i32
    %cond3A_78 = arith.constant 0 : i32
    %cond3A_79 = arith.cmpi ne, %convert_element_type3A_77, %cond3A_78 : i32
    scf.if %cond3A_79 {
      %get3A_207 = arith.constant 0 : index
      %get3A_208 = arith.constant 0 : index
      %get3A_209 = arith.constant 0 : index
      %get3A_210 = vector.load %arg6[%get3A_207, %get3A_208, %get3A_209] : memref<1x1024x1024xf32, #tpu.memory_space<vmem>>, vector<1x1024x1024xf32>
      %get3A_211 = vector.shape_cast %get3A_210 : vector<1x1024x1024xf32> to vector<1024x1024xf32>
      %convert_element_type3A_212 = arith.truncf %get3A_211 : vector<1024x1024xf32> to vector<1024x1024xbf16>
      %swap3A = arith.constant 3072 : index
      %swap3A_213 = arith.constant 0 : index
      %swap3A_214 = vector.load %arg11[%swap3A, %swap3A_213] : memref<4096x1024xbf16, #tpu.memory_space<vmem>>, vector<1024x1024xbf16>
      tpu.vector_store %arg11[%swap3A, %swap3A_213], %convert_element_type3A_212 {strides = array<i32>} : memref<4096x1024xbf16, #tpu.memory_space<vmem>>, vector<1024x1024xbf16>,
    } else {
    }
    %eq3A_80 = arith.constant 0 : i32
    %eq3A_81 = arith.cmpi eq, %get3A_9, %eq3A_80 : i32
    %and3A_82 = arith.andi %and3A, %eq3A_81 : i1
    %eq3A_83 = arith.constant 0 : i32
    %eq3A_84 = arith.cmpi eq, %arg1, %eq3A_83 : i32
    %and3A_85 = arith.andi %and3A_82, %eq3A_84 : i1
    %convert_element_type3A_86 = arith.extui %and3A_85 : i1 to i32
    %cond3A_87 = arith.constant 0 : i32
    %cond3A_88 = arith.cmpi ne, %convert_element_type3A_86, %cond3A_87 : i32
    scf.if %cond3A_88 {
      %get3A_207 = arith.constant 0 : index
      %get3A_208 = arith.constant 0 : index
      %get3A_209 = vector.load %arg3[%get3A_207, %get3A_208] : memref<512x1024xf32, #tpu.memory_space<vmem>>, vector<512x1024xf32>
      %convert_element_type3A_210 = arith.truncf %get3A_209 : vector<512x1024xf32> to vector<512x1024xbf16>
      %get3A_211 = arith.constant 0 : index
      %get3A_212 = arith.constant 0 : index
      %get3A_213 = vector.load %arg10[%get3A_211, %get3A_212] : memref<1024x4096xbf16, #tpu.memory_space<vmem>>, vector<1024x2048xbf16>
      %dot_general3A = arith.constant dense<0.000000e+00> : vector<512x2048xf32>
      %dot_general3A_214 = tpu.matmul %convert_element_type3A_210, %get3A_213, %dot_general3A {dimension_numbers = #tpu.dot_dimension_numbers<[1], [0], [0], [1], [0, 0, 1, 1], [], []>, transpose_lhs_hint = false} : vector<512x1024xbf16>, vector<1024x2048xbf16>, vector<512x2048xf32> -> vector<512x2048xf32>
      %get3A_215 = arith.constant 0 : index
      %get3A_216 = arith.constant 0 : index
      %get3A_217 = arith.constant 0 : index
      %get3A_218 = vector.load %arg5[%get3A_215, %get3A_216, %get3A_217] : memref<1x1x4096xf32, #tpu.memory_space<vmem>>, vector<1x1x4096xf32>
      %get3A_219 = vector.shape_cast %get3A_218 : vector<1x1x4096xf32> to vector<1x4096xf32>
      %slice3A = vector.extract_strided_slice %get3A_219 {offsets = [0, 0], sizes = [1, 2048], strides = [1, 1]} : vector<1x4096xf32> to vector<1x2048xf32>
      %add3A_220 = vector.broadcast %slice3A : vector<1x2048xf32> to vector<512x2048xf32>
      %add3A_221 = arith.addf %dot_general3A_214, %add3A_220 : vector<512x2048xf32>
      %max3A_222 = arith.constant 0.000000e+00 : f32
      %max3A_223 = vector.broadcast %max3A_222 : f32 to vector<512x2048xf32>
      %max3A_224 = arith.maximumf %add3A_221, %max3A_223 : vector<512x2048xf32>
      %convert_element_type3A_225 = arith.truncf %max3A_224 : vector<512x2048xf32> to vector<512x2048xbf16>
      %swap3A = arith.constant 0 : index
      %swap3A_226 = arith.constant 0 : index
      %swap3A_227 = vector.load %arg14[%swap3A, %swap3A_226] : memref<512x4096xbf16, #tpu.memory_space<vmem>>, vector<512x2048xbf16>
      tpu.vector_store %arg14[%swap3A, %swap3A_226], %convert_element_type3A_225 {strides = array<i32>} : memref<512x4096xbf16, #tpu.memory_space<vmem>>, vector<512x2048xbf16>,
    } else {
    }
    %eq3A_89 = arith.constant 0 : i32
    %eq3A_90 = arith.cmpi eq, %get3A_9, %eq3A_89 : i32
    %and3A_91 = arith.andi %and3A, %eq3A_90 : i1
    %eq3A_92 = arith.constant 2 : i32
    %eq3A_93 = arith.cmpi eq, %arg1, %eq3A_92 : i32
    %and3A_94 = arith.andi %and3A_91, %eq3A_93 : i1
    %convert_element_type3A_95 = arith.extui %and3A_94 : i1 to i32
    %cond3A_96 = arith.constant 0 : i32
    %cond3A_97 = arith.cmpi ne, %convert_element_type3A_95, %cond3A_96 : i32
    scf.if %cond3A_97 {
      %get3A_207 = arith.constant 0 : index
      %get3A_208 = arith.constant 0 : index
      %get3A_209 = vector.load %arg14[%get3A_207, %get3A_208] : memref<512x4096xbf16, #tpu.memory_space<vmem>>, vector<512x2048xbf16>
      %get3A_210 = arith.constant 0 : index
      %get3A_211 = arith.constant 0 : index
      %get3A_212 = vector.load %arg11[%get3A_210, %get3A_211] : memref<4096x1024xbf16, #tpu.memory_space<vmem>>, vector<2048x1024xbf16>
      %dot_general3A = arith.constant dense<0.000000e+00> : vector<512x1024xf32>
      %dot_general3A_213 = tpu.matmul %get3A_209, %get3A_212, %dot_general3A {dimension_numbers = #tpu.dot_dimension_numbers<[1], [0], [0], [1], [0, 0, 1, 1], [], []>, transpose_lhs_hint = false} : vector<512x2048xbf16>, vector<2048x1024xbf16>, vector<512x1024xf32> -> vector<512x1024xf32>
      %get3A_214 = arith.constant 0 : index
      %get3A_215 = arith.constant 0 : index
      %get3A_216 = arith.constant 0 : index
      %get3A_217 = vector.load %arg7[%get3A_214, %get3A_215, %get3A_216] : memref<1x1x1024xf32, #tpu.memory_space<vmem>>, vector<1x1x1024xf32>
      %get3A_218 = vector.shape_cast %get3A_217 : vector<1x1x1024xf32> to vector<1x1024xf32>
      %add3A_219 = vector.broadcast %get3A_218 : vector<1x1024xf32> to vector<512x1024xf32>
      %add3A_220 = arith.addf %dot_general3A_213, %add3A_219 : vector<512x1024xf32>
      %swap3A = arith.constant 0 : index
      %swap3A_221 = arith.constant 0 : index
      %swap3A_222 = vector.load %arg9[%swap3A, %swap3A_221] : memref<512x1024xf32, #tpu.memory_space<vmem>>, vector<512x1024xf32>
      tpu.vector_store %arg9[%swap3A, %swap3A_221], %add3A_220 {strides = array<i32>} : memref<512x1024xf32, #tpu.memory_space<vmem>>, vector<512x1024xf32>,
    } else {
    }
    %eq3A_98 = arith.constant 0 : i32
    %eq3A_99 = arith.cmpi eq, %get3A_9, %eq3A_98 : i32
    %and3A_100 = arith.andi %and3A, %eq3A_99 : i1
    %eq3A_101 = arith.constant 1 : i32
    %eq3A_102 = arith.cmpi eq, %arg1, %eq3A_101 : i32
    %and3A_103 = arith.andi %and3A_100, %eq3A_102 : i1
    %convert_element_type3A_104 = arith.extui %and3A_103 : i1 to i32
    %cond3A_105 = arith.constant 0 : i32
    %cond3A_106 = arith.cmpi ne, %convert_element_type3A_104, %cond3A_105 : i32
    scf.if %cond3A_106 {
      %get3A_207 = arith.constant 0 : index
      %get3A_208 = arith.constant 0 : index
      %get3A_209 = vector.load %arg3[%get3A_207, %get3A_208] : memref<512x1024xf32, #tpu.memory_space<vmem>>, vector<512x1024xf32>
      %convert_element_type3A_210 = arith.truncf %get3A_209 : vector<512x1024xf32> to vector<512x1024xbf16>
      %get3A_211 = arith.constant 0 : index
      %get3A_212 = arith.constant 2048 : index
      %get3A_213 = vector.load %arg10[%get3A_211, %get3A_212] : memref<1024x4096xbf16, #tpu.memory_space<vmem>>, vector<1024x2048xbf16>
      %dot_general3A = arith.constant dense<0.000000e+00> : vector<512x2048xf32>
      %dot_general3A_214 = tpu.matmul %convert_element_type3A_210, %get3A_213, %dot_general3A {dimension_numbers = #tpu.dot_dimension_numbers<[1], [0], [0], [1], [0, 0, 1, 1], [], []>, transpose_lhs_hint = false} : vector<512x1024xbf16>, vector<1024x2048xbf16>, vector<512x2048xf32> -> vector<512x2048xf32>
      %get3A_215 = arith.constant 0 : index
      %get3A_216 = arith.constant 0 : index
      %get3A_217 = arith.constant 0 : index
      %get3A_218 = vector.load %arg5[%get3A_215, %get3A_216, %get3A_217] : memref<1x1x4096xf32, #tpu.memory_space<vmem>>, vector<1x1x4096xf32>
      %get3A_219 = vector.shape_cast %get3A_218 : vector<1x1x4096xf32> to vector<1x4096xf32>
      %slice3A = vector.extract_strided_slice %get3A_219 {offsets = [0, 2048], sizes = [1, 2048], strides = [1, 1]} : vector<1x4096xf32> to vector<1x2048xf32>
      %add3A_220 = vector.broadcast %slice3A : vector<1x2048xf32> to vector<512x2048xf32>
      %add3A_221 = arith.addf %dot_general3A_214, %add3A_220 : vector<512x2048xf32>
      %max3A_222 = arith.constant 0.000000e+00 : f32
      %max3A_223 = vector.broadcast %max3A_222 : f32 to vector<512x2048xf32>
      %max3A_224 = arith.maximumf %add3A_221, %max3A_223 : vector<512x2048xf32>
      %convert_element_type3A_225 = arith.truncf %max3A_224 : vector<512x2048xf32> to vector<512x2048xbf16>
      %swap3A = arith.constant 0 : index
      %swap3A_226 = arith.constant 2048 : index
      %swap3A_227 = vector.load %arg14[%swap3A, %swap3A_226] : memref<512x4096xbf16, #tpu.memory_space<vmem>>, vector<512x2048xbf16>
      tpu.vector_store %arg14[%swap3A, %swap3A_226], %convert_element_type3A_225 {strides = array<i32>} : memref<512x4096xbf16, #tpu.memory_space<vmem>>, vector<512x2048xbf16>,
    } else {
    }
    %eq3A_107 = arith.constant 0 : i32
    %eq3A_108 = arith.cmpi eq, %get3A_9, %eq3A_107 : i32
    %and3A_109 = arith.andi %and3A, %eq3A_108 : i1
    %eq3A_110 = arith.constant 3 : i32
    %eq3A_111 = arith.cmpi eq, %arg1, %eq3A_110 : i32
    %and3A_112 = arith.andi %and3A_109, %eq3A_111 : i1
    %convert_element_type3A_113 = arith.extui %and3A_112 : i1 to i32
    %cond3A_114 = arith.constant 0 : i32
    %cond3A_115 = arith.cmpi ne, %convert_element_type3A_113, %cond3A_114 : i32
    scf.if %cond3A_115 {
      %get3A_207 = arith.constant 0 : index
      %get3A_208 = arith.constant 2048 : index
      %get3A_209 = vector.load %arg14[%get3A_207, %get3A_208] : memref<512x4096xbf16, #tpu.memory_space<vmem>>, vector<512x2048xbf16>
      %get3A_210 = arith.constant 2048 : index
      %get3A_211 = arith.constant 0 : index
      %get3A_212 = vector.load %arg11[%get3A_210, %get3A_211] : memref<4096x1024xbf16, #tpu.memory_space<vmem>>, vector<2048x1024xbf16>
      %dot_general3A = arith.constant dense<0.000000e+00> : vector<512x1024xf32>
      %dot_general3A_213 = tpu.matmul %get3A_209, %get3A_212, %dot_general3A {dimension_numbers = #tpu.dot_dimension_numbers<[1], [0], [0], [1], [0, 0, 1, 1], [], []>, transpose_lhs_hint = false} : vector<512x2048xbf16>, vector<2048x1024xbf16>, vector<512x1024xf32> -> vector<512x1024xf32>
      %get3A_214 = arith.constant 0 : index
      %get3A_215 = arith.constant 0 : index
      %get3A_216 = vector.load %arg9[%get3A_214, %get3A_215] : memref<512x1024xf32, #tpu.memory_space<vmem>>, vector<512x1024xf32>
      %add3A_217 = arith.addf %get3A_216, %dot_general3A_213 : vector<512x1024xf32>
      %get3A_218 = arith.constant 0 : index
      %get3A_219 = arith.constant 0 : index
      %get3A_220 = vector.load %arg8[%get3A_218, %get3A_219] : memref<512x128xf32, #tpu.memory_space<vmem>>, vector<512x1xf32>
      %mul3A = vector.broadcast %get3A_220 : vector<512x1xf32> to vector<512x1024xf32>
      %mul3A_221 = arith.mulf %add3A_217, %mul3A : vector<512x1024xf32>
      %swap3A = arith.constant 0 : index
      %swap3A_222 = arith.constant 0 : index
      %swap3A_223 = vector.load %arg9[%swap3A, %swap3A_222] : memref<512x1024xf32, #tpu.memory_space<vmem>>, vector<512x1024xf32>
      tpu.vector_store %arg9[%swap3A, %swap3A_222], %mul3A_221 {strides = array<i32>} : memref<512x1024xf32, #tpu.memory_space<vmem>>, vector<512x1024xf32>,
    } else {
    }
    %eq3A_116 = arith.constant 0 : i32
    %eq3A_117 = arith.cmpi eq, %arg0, %eq3A_116 : i32
    %jit3A_118 = arith.constant 0 : i32
    %select_n3A_119 = arith.select %eq3A_117, %jit3A_118, %sub3A_11 : i32
    %eq3A_120 = arith.constant 1 : i32
    %eq3A_121 = arith.cmpi eq, %select_n3A_119, %eq3A_120 : i32
    %and3A_122 = arith.andi %or3A, %eq3A_121 : i1
    %eq3A_123 = arith.constant 0 : i32
    %eq3A_124 = arith.cmpi eq, %select_n3A, %eq3A_123 : i32
    %and3A_125 = arith.andi %and3A_122, %eq3A_124 : i1
    %convert_element_type3A_126 = arith.extui %and3A_125 : i1 to i32
    %cond3A_127 = arith.constant 0 : i32
    %cond3A_128 = arith.cmpi ne, %convert_element_type3A_126, %cond3A_127 : i32
    scf.if %cond3A_128 {
      %get3A_207 = arith.constant 0 : index
      %get3A_208 = arith.constant 0 : index
      %get3A_209 = arith.constant 0 : index
      %get3A_210 = vector.load %arg4[%get3A_207, %get3A_208, %get3A_209] : memref<1x1024x1024xf32, #tpu.memory_space<vmem>>, vector<1x1024x1024xf32>
      %get3A_211 = vector.shape_cast %get3A_210 : vector<1x1024x1024xf32> to vector<1024x1024xf32>
      %convert_element_type3A_212 = arith.truncf %get3A_211 : vector<1024x1024xf32> to vector<1024x1024xbf16>
      %swap3A = arith.constant 0 : index
      %swap3A_213 = arith.constant 0 : index
      %swap3A_214 = vector.load %arg12[%swap3A, %swap3A_213] : memref<1024x4096xbf16, #tpu.memory_space<vmem>>, vector<1024x1024xbf16>
      tpu.vector_store %arg12[%swap3A, %swap3A_213], %convert_element_type3A_212 {strides = array<i32>} : memref<1024x4096xbf16, #tpu.memory_space<vmem>>, vector<1024x1024xbf16>,
    } else {
    }
    %eq3A_129 = arith.constant 0 : i32
    %eq3A_130 = arith.cmpi eq, %select_n3A, %eq3A_129 : i32
    %and3A_131 = arith.andi %and3A_122, %eq3A_130 : i1
    %convert_element_type3A_132 = arith.extui %and3A_131 : i1 to i32
    %cond3A_133 = arith.constant 0 : i32
    %cond3A_134 = arith.cmpi ne, %convert_element_type3A_132, %cond3A_133 : i32
    scf.if %cond3A_134 {
      %get3A_207 = arith.constant 0 : index
      %get3A_208 = arith.constant 0 : index
      %get3A_209 = arith.constant 0 : index
      %get3A_210 = vector.load %arg6[%get3A_207, %get3A_208, %get3A_209] : memref<1x1024x1024xf32, #tpu.memory_space<vmem>>, vector<1x1024x1024xf32>
      %get3A_211 = vector.shape_cast %get3A_210 : vector<1x1024x1024xf32> to vector<1024x1024xf32>
      %convert_element_type3A_212 = arith.truncf %get3A_211 : vector<1024x1024xf32> to vector<1024x1024xbf16>
      %swap3A = arith.constant 0 : index
      %swap3A_213 = arith.constant 0 : index
      %swap3A_214 = vector.load %arg13[%swap3A, %swap3A_213] : memref<4096x1024xbf16, #tpu.memory_space<vmem>>, vector<1024x1024xbf16>
      tpu.vector_store %arg13[%swap3A, %swap3A_213], %convert_element_type3A_212 {strides = array<i32>} : memref<4096x1024xbf16, #tpu.memory_space<vmem>>, vector<1024x1024xbf16>,
    } else {
    }
    %eq3A_135 = arith.constant 1 : i32
    %eq3A_136 = arith.cmpi eq, %select_n3A, %eq3A_135 : i32
    %and3A_137 = arith.andi %and3A_122, %eq3A_136 : i1
    %convert_element_type3A_138 = arith.extui %and3A_137 : i1 to i32
    %cond3A_139 = arith.constant 0 : i32
    %cond3A_140 = arith.cmpi ne, %convert_element_type3A_138, %cond3A_139 : i32
    scf.if %cond3A_140 {
      %get3A_207 = arith.constant 0 : index
      %get3A_208 = arith.constant 0 : index
      %get3A_209 = arith.constant 0 : index
      %get3A_210 = vector.load %arg4[%get3A_207, %get3A_208, %get3A_209] : memref<1x1024x1024xf32, #tpu.memory_space<vmem>>, vector<1x1024x1024xf32>
      %get3A_211 = vector.shape_cast %get3A_210 : vector<1x1024x1024xf32> to vector<1024x1024xf32>
      %convert_element_type3A_212 = arith.truncf %get3A_211 : vector<1024x1024xf32> to vector<1024x1024xbf16>
      %swap3A = arith.constant 0 : index
      %swap3A_213 = arith.constant 1024 : index
      %swap3A_214 = vector.load %arg12[%swap3A, %swap3A_213] : memref<1024x4096xbf16, #tpu.memory_space<vmem>>, vector<1024x1024xbf16>
      tpu.vector_store %arg12[%swap3A, %swap3A_213], %convert_element_type3A_212 {strides = array<i32>} : memref<1024x4096xbf16, #tpu.memory_space<vmem>>, vector<1024x1024xbf16>,
    } else {
    }
    %eq3A_141 = arith.constant 1 : i32
    %eq3A_142 = arith.cmpi eq, %select_n3A, %eq3A_141 : i32
    %and3A_143 = arith.andi %and3A_122, %eq3A_142 : i1
    %convert_element_type3A_144 = arith.extui %and3A_143 : i1 to i32
    %cond3A_145 = arith.constant 0 : i32
    %cond3A_146 = arith.cmpi ne, %convert_element_type3A_144, %cond3A_145 : i32
    scf.if %cond3A_146 {
      %get3A_207 = arith.constant 0 : index
      %get3A_208 = arith.constant 0 : index
      %get3A_209 = arith.constant 0 : index
      %get3A_210 = vector.load %arg6[%get3A_207, %get3A_208, %get3A_209] : memref<1x1024x1024xf32, #tpu.memory_space<vmem>>, vector<1x1024x1024xf32>
      %get3A_211 = vector.shape_cast %get3A_210 : vector<1x1024x1024xf32> to vector<1024x1024xf32>
      %convert_element_type3A_212 = arith.truncf %get3A_211 : vector<1024x1024xf32> to vector<1024x1024xbf16>
      %swap3A = arith.constant 1024 : index
      %swap3A_213 = arith.constant 0 : index
      %swap3A_214 = vector.load %arg13[%swap3A, %swap3A_213] : memref<4096x1024xbf16, #tpu.memory_space<vmem>>, vector<1024x1024xbf16>
      tpu.vector_store %arg13[%swap3A, %swap3A_213], %convert_element_type3A_212 {strides = array<i32>} : memref<4096x1024xbf16, #tpu.memory_space<vmem>>, vector<1024x1024xbf16>,
    } else {
    }
    %eq3A_147 = arith.constant 2 : i32
    %eq3A_148 = arith.cmpi eq, %select_n3A, %eq3A_147 : i32
    %and3A_149 = arith.andi %and3A_122, %eq3A_148 : i1
    %convert_element_type3A_150 = arith.extui %and3A_149 : i1 to i32
    %cond3A_151 = arith.constant 0 : i32
    %cond3A_152 = arith.cmpi ne, %convert_element_type3A_150, %cond3A_151 : i32
    scf.if %cond3A_152 {
      %get3A_207 = arith.constant 0 : index
      %get3A_208 = arith.constant 0 : index
      %get3A_209 = arith.constant 0 : index
      %get3A_210 = vector.load %arg4[%get3A_207, %get3A_208, %get3A_209] : memref<1x1024x1024xf32, #tpu.memory_space<vmem>>, vector<1x1024x1024xf32>
      %get3A_211 = vector.shape_cast %get3A_210 : vector<1x1024x1024xf32> to vector<1024x1024xf32>
      %convert_element_type3A_212 = arith.truncf %get3A_211 : vector<1024x1024xf32> to vector<1024x1024xbf16>
      %swap3A = arith.constant 0 : index
      %swap3A_213 = arith.constant 2048 : index
      %swap3A_214 = vector.load %arg12[%swap3A, %swap3A_213] : memref<1024x4096xbf16, #tpu.memory_space<vmem>>, vector<1024x1024xbf16>
      tpu.vector_store %arg12[%swap3A, %swap3A_213], %convert_element_type3A_212 {strides = array<i32>} : memref<1024x4096xbf16, #tpu.memory_space<vmem>>, vector<1024x1024xbf16>,
    } else {
    }
    %eq3A_153 = arith.constant 2 : i32
    %eq3A_154 = arith.cmpi eq, %select_n3A, %eq3A_153 : i32
    %and3A_155 = arith.andi %and3A_122, %eq3A_154 : i1
    %convert_element_type3A_156 = arith.extui %and3A_155 : i1 to i32
    %cond3A_157 = arith.constant 0 : i32
    %cond3A_158 = arith.cmpi ne, %convert_element_type3A_156, %cond3A_157 : i32
    scf.if %cond3A_158 {
      %get3A_207 = arith.constant 0 : index
      %get3A_208 = arith.constant 0 : index
      %get3A_209 = arith.constant 0 : index
      %get3A_210 = vector.load %arg6[%get3A_207, %get3A_208, %get3A_209] : memref<1x1024x1024xf32, #tpu.memory_space<vmem>>, vector<1x1024x1024xf32>
      %get3A_211 = vector.shape_cast %get3A_210 : vector<1x1024x1024xf32> to vector<1024x1024xf32>
      %convert_element_type3A_212 = arith.truncf %get3A_211 : vector<1024x1024xf32> to vector<1024x1024xbf16>
      %swap3A = arith.constant 2048 : index
      %swap3A_213 = arith.constant 0 : index
      %swap3A_214 = vector.load %arg13[%swap3A, %swap3A_213] : memref<4096x1024xbf16, #tpu.memory_space<vmem>>, vector<1024x1024xbf16>
      tpu.vector_store %arg13[%swap3A, %swap3A_213], %convert_element_type3A_212 {strides = array<i32>} : memref<4096x1024xbf16, #tpu.memory_space<vmem>>, vector<1024x1024xbf16>,
    } else {
    }
    %eq3A_159 = arith.constant 3 : i32
    %eq3A_160 = arith.cmpi eq, %select_n3A, %eq3A_159 : i32
    %and3A_161 = arith.andi %and3A_122, %eq3A_160 : i1
    %convert_element_type3A_162 = arith.extui %and3A_161 : i1 to i32
    %cond3A_163 = arith.constant 0 : i32
    %cond3A_164 = arith.cmpi ne, %convert_element_type3A_162, %cond3A_163 : i32
    scf.if %cond3A_164 {
      %get3A_207 = arith.constant 0 : index
      %get3A_208 = arith.constant 0 : index
      %get3A_209 = arith.constant 0 : index
      %get3A_210 = vector.load %arg4[%get3A_207, %get3A_208, %get3A_209] : memref<1x1024x1024xf32, #tpu.memory_space<vmem>>, vector<1x1024x1024xf32>
      %get3A_211 = vector.shape_cast %get3A_210 : vector<1x1024x1024xf32> to vector<1024x1024xf32>
      %convert_element_type3A_212 = arith.truncf %get3A_211 : vector<1024x1024xf32> to vector<1024x1024xbf16>
      %swap3A = arith.constant 0 : index
      %swap3A_213 = arith.constant 3072 : index
      %swap3A_214 = vector.load %arg12[%swap3A, %swap3A_213] : memref<1024x4096xbf16, #tpu.memory_space<vmem>>, vector<1024x1024xbf16>
      tpu.vector_store %arg12[%swap3A, %swap3A_213], %convert_element_type3A_212 {strides = array<i32>} : memref<1024x4096xbf16, #tpu.memory_space<vmem>>, vector<1024x1024xbf16>,
    } else {
    }
    %eq3A_165 = arith.constant 3 : i32
    %eq3A_166 = arith.cmpi eq, %select_n3A, %eq3A_165 : i32
    %and3A_167 = arith.andi %and3A_122, %eq3A_166 : i1
    %convert_element_type3A_168 = arith.extui %and3A_167 : i1 to i32
    %cond3A_169 = arith.constant 0 : i32
    %cond3A_170 = arith.cmpi ne, %convert_element_type3A_168, %cond3A_169 : i32
    scf.if %cond3A_170 {
      %get3A_207 = arith.constant 0 : index
      %get3A_208 = arith.constant 0 : index
      %get3A_209 = arith.constant 0 : index
      %get3A_210 = vector.load %arg6[%get3A_207, %get3A_208, %get3A_209] : memref<1x1024x1024xf32, #tpu.memory_space<vmem>>, vector<1x1024x1024xf32>
      %get3A_211 = vector.shape_cast %get3A_210 : vector<1x1024x1024xf32> to vector<1024x1024xf32>
      %convert_element_type3A_212 = arith.truncf %get3A_211 : vector<1024x1024xf32> to vector<1024x1024xbf16>
      %swap3A = arith.constant 3072 : index
      %swap3A_213 = arith.constant 0 : index
      %swap3A_214 = vector.load %arg13[%swap3A, %swap3A_213] : memref<4096x1024xbf16, #tpu.memory_space<vmem>>, vector<1024x1024xbf16>
      tpu.vector_store %arg13[%swap3A, %swap3A_213], %convert_element_type3A_212 {strides = array<i32>} : memref<4096x1024xbf16, #tpu.memory_space<vmem>>, vector<1024x1024xbf16>,
    } else {
    }
    %eq3A_171 = arith.constant 1 : i32
    %eq3A_172 = arith.cmpi eq, %get3A_9, %eq3A_171 : i32
    %and3A_173 = arith.andi %and3A, %eq3A_172 : i1
    %eq3A_174 = arith.constant 0 : i32
    %eq3A_175 = arith.cmpi eq, %arg1, %eq3A_174 : i32
    %and3A_176 = arith.andi %and3A_173, %eq3A_175 : i1
    %convert_element_type3A_177 = arith.extui %and3A_176 : i1 to i32
    %cond3A_178 = arith.constant 0 : i32
    %cond3A_179 = arith.cmpi ne, %convert_element_type3A_177, %cond3A_178 : i32
    scf.if %cond3A_179 {
      %get3A_207 = arith.constant 0 : index
      %get3A_208 = arith.constant 0 : index
      %get3A_209 = vector.load %arg3[%get3A_207, %get3A_208] : memref<512x1024xf32, #tpu.memory_space<vmem>>, vector<512x1024xf32>
      %convert_element_type3A_210 = arith.truncf %get3A_209 : vector<512x1024xf32> to vector<512x1024xbf16>
      %get3A_211 = arith.constant 0 : index
      %get3A_212 = arith.constant 0 : index
      %get3A_213 = vector.load %arg12[%get3A_211, %get3A_212] : memref<1024x4096xbf16, #tpu.memory_space<vmem>>, vector<1024x2048xbf16>
      %dot_general3A = arith.constant dense<0.000000e+00> : vector<512x2048xf32>
      %dot_general3A_214 = tpu.matmul %convert_element_type3A_210, %get3A_213, %dot_general3A {dimension_numbers = #tpu.dot_dimension_numbers<[1], [0], [0], [1], [0, 0, 1, 1], [], []>, transpose_lhs_hint = false} : vector<512x1024xbf16>, vector<1024x2048xbf16>, vector<512x2048xf32> -> vector<512x2048xf32>
      %get3A_215 = arith.constant 0 : index
      %get3A_216 = arith.constant 0 : index
      %get3A_217 = arith.constant 0 : index
      %get3A_218 = vector.load %arg5[%get3A_215, %get3A_216, %get3A_217] : memref<1x1x4096xf32, #tpu.memory_space<vmem>>, vector<1x1x4096xf32>
      %get3A_219 = vector.shape_cast %get3A_218 : vector<1x1x4096xf32> to vector<1x4096xf32>
      %slice3A = vector.extract_strided_slice %get3A_219 {offsets = [0, 0], sizes = [1, 2048], strides = [1, 1]} : vector<1x4096xf32> to vector<1x2048xf32>
      %add3A_220 = vector.broadcast %slice3A : vector<1x2048xf32> to vector<512x2048xf32>
      %add3A_221 = arith.addf %dot_general3A_214, %add3A_220 : vector<512x2048xf32>
      %max3A_222 = arith.constant 0.000000e+00 : f32
      %max3A_223 = vector.broadcast %max3A_222 : f32 to vector<512x2048xf32>
      %max3A_224 = arith.maximumf %add3A_221, %max3A_223 : vector<512x2048xf32>
      %convert_element_type3A_225 = arith.truncf %max3A_224 : vector<512x2048xf32> to vector<512x2048xbf16>
      %swap3A = arith.constant 0 : index
      %swap3A_226 = arith.constant 0 : index
      %swap3A_227 = vector.load %arg14[%swap3A, %swap3A_226] : memref<512x4096xbf16, #tpu.memory_space<vmem>>, vector<512x2048xbf16>
      tpu.vector_store %arg14[%swap3A, %swap3A_226], %convert_element_type3A_225 {strides = array<i32>} : memref<512x4096xbf16, #tpu.memory_space<vmem>>, vector<512x2048xbf16>,
    } else {
    }
    %eq3A_180 = arith.constant 1 : i32
    %eq3A_181 = arith.cmpi eq, %get3A_9, %eq3A_180 : i32
    %and3A_182 = arith.andi %and3A, %eq3A_181 : i1
    %eq3A_183 = arith.constant 2 : i32
    %eq3A_184 = arith.cmpi eq, %arg1, %eq3A_183 : i32
    %and3A_185 = arith.andi %and3A_182, %eq3A_184 : i1
    %convert_element_type3A_186 = arith.extui %and3A_185 : i1 to i32
    %cond3A_187 = arith.constant 0 : i32
    %cond3A_188 = arith.cmpi ne, %convert_element_type3A_186, %cond3A_187 : i32
    scf.if %cond3A_188 {
      %get3A_207 = arith.constant 0 : index
      %get3A_208 = arith.constant 0 : index
      %get3A_209 = vector.load %arg14[%get3A_207, %get3A_208] : memref<512x4096xbf16, #tpu.memory_space<vmem>>, vector<512x2048xbf16>
      %get3A_210 = arith.constant 0 : index
      %get3A_211 = arith.constant 0 : index
      %get3A_212 = vector.load %arg13[%get3A_210, %get3A_211] : memref<4096x1024xbf16, #tpu.memory_space<vmem>>, vector<2048x1024xbf16>
      %dot_general3A = arith.constant dense<0.000000e+00> : vector<512x1024xf32>
      %dot_general3A_213 = tpu.matmul %get3A_209, %get3A_212, %dot_general3A {dimension_numbers = #tpu.dot_dimension_numbers<[1], [0], [0], [1], [0, 0, 1, 1], [], []>, transpose_lhs_hint = false} : vector<512x2048xbf16>, vector<2048x1024xbf16>, vector<512x1024xf32> -> vector<512x1024xf32>
      %get3A_214 = arith.constant 0 : index
      %get3A_215 = arith.constant 0 : index
      %get3A_216 = arith.constant 0 : index
      %get3A_217 = vector.load %arg7[%get3A_214, %get3A_215, %get3A_216] : memref<1x1x1024xf32, #tpu.memory_space<vmem>>, vector<1x1x1024xf32>
      %get3A_218 = vector.shape_cast %get3A_217 : vector<1x1x1024xf32> to vector<1x1024xf32>
      %add3A_219 = vector.broadcast %get3A_218 : vector<1x1024xf32> to vector<512x1024xf32>
      %add3A_220 = arith.addf %dot_general3A_213, %add3A_219 : vector<512x1024xf32>
      %swap3A = arith.constant 0 : index
      %swap3A_221 = arith.constant 0 : index
      %swap3A_222 = vector.load %arg9[%swap3A, %swap3A_221] : memref<512x1024xf32, #tpu.memory_space<vmem>>, vector<512x1024xf32>
      tpu.vector_store %arg9[%swap3A, %swap3A_221], %add3A_220 {strides = array<i32>} : memref<512x1024xf32, #tpu.memory_space<vmem>>, vector<512x1024xf32>,
    } else {
    }
    %eq3A_189 = arith.constant 1 : i32
    %eq3A_190 = arith.cmpi eq, %get3A_9, %eq3A_189 : i32
    %and3A_191 = arith.andi %and3A, %eq3A_190 : i1
    %eq3A_192 = arith.constant 1 : i32
    %eq3A_193 = arith.cmpi eq, %arg1, %eq3A_192 : i32
    %and3A_194 = arith.andi %and3A_191, %eq3A_193 : i1
    %convert_element_type3A_195 = arith.extui %and3A_194 : i1 to i32
    %cond3A_196 = arith.constant 0 : i32
    %cond3A_197 = arith.cmpi ne, %convert_element_type3A_195, %cond3A_196 : i32
    scf.if %cond3A_197 {
      %get3A_207 = arith.constant 0 : index
      %get3A_208 = arith.constant 0 : index
      %get3A_209 = vector.load %arg3[%get3A_207, %get3A_208] : memref<512x1024xf32, #tpu.memory_space<vmem>>, vector<512x1024xf32>
      %convert_element_type3A_210 = arith.truncf %get3A_209 : vector<512x1024xf32> to vector<512x1024xbf16>
      %get3A_211 = arith.constant 0 : index
      %get3A_212 = arith.constant 2048 : index
      %get3A_213 = vector.load %arg12[%get3A_211, %get3A_212] : memref<1024x4096xbf16, #tpu.memory_space<vmem>>, vector<1024x2048xbf16>
      %dot_general3A = arith.constant dense<0.000000e+00> : vector<512x2048xf32>
      %dot_general3A_214 = tpu.matmul %convert_element_type3A_210, %get3A_213, %dot_general3A {dimension_numbers = #tpu.dot_dimension_numbers<[1], [0], [0], [1], [0, 0, 1, 1], [], []>, transpose_lhs_hint = false} : vector<512x1024xbf16>, vector<1024x2048xbf16>, vector<512x2048xf32> -> vector<512x2048xf32>
      %get3A_215 = arith.constant 0 : index
      %get3A_216 = arith.constant 0 : index
      %get3A_217 = arith.constant 0 : index
      %get3A_218 = vector.load %arg5[%get3A_215, %get3A_216, %get3A_217] : memref<1x1x4096xf32, #tpu.memory_space<vmem>>, vector<1x1x4096xf32>
      %get3A_219 = vector.shape_cast %get3A_218 : vector<1x1x4096xf32> to vector<1x4096xf32>
      %slice3A = vector.extract_strided_slice %get3A_219 {offsets = [0, 2048], sizes = [1, 2048], strides = [1, 1]} : vector<1x4096xf32> to vector<1x2048xf32>
      %add3A_220 = vector.broadcast %slice3A : vector<1x2048xf32> to vector<512x2048xf32>
      %add3A_221 = arith.addf %dot_general3A_214, %add3A_220 : vector<512x2048xf32>
      %max3A_222 = arith.constant 0.000000e+00 : f32
      %max3A_223 = vector.broadcast %max3A_222 : f32 to vector<512x2048xf32>
      %max3A_224 = arith.maximumf %add3A_221, %max3A_223 : vector<512x2048xf32>
      %convert_element_type3A_225 = arith.truncf %max3A_224 : vector<512x2048xf32> to vector<512x2048xbf16>
      %swap3A = arith.constant 0 : index
      %swap3A_226 = arith.constant 2048 : index
      %swap3A_227 = vector.load %arg14[%swap3A, %swap3A_226] : memref<512x4096xbf16, #tpu.memory_space<vmem>>, vector<512x2048xbf16>
      tpu.vector_store %arg14[%swap3A, %swap3A_226], %convert_element_type3A_225 {strides = array<i32>} : memref<512x4096xbf16, #tpu.memory_space<vmem>>, vector<512x2048xbf16>,
    } else {
    }
    %eq3A_198 = arith.constant 1 : i32
    %eq3A_199 = arith.cmpi eq, %get3A_9, %eq3A_198 : i32
    %and3A_200 = arith.andi %and3A, %eq3A_199 : i1
    %eq3A_201 = arith.constant 3 : i32
    %eq3A_202 = arith.cmpi eq, %arg1, %eq3A_201 : i32
    %and3A_203 = arith.andi %and3A_200, %eq3A_202 : i1
    %convert_element_type3A_204 = arith.extui %and3A_203 : i1 to i32
    %cond3A_205 = arith.constant 0 : i32
    %cond3A_206 = arith.cmpi ne, %convert_element_type3A_204, %cond3A_205 : i32
    scf.if %cond3A_206 {
      %get3A_207 = arith.constant 0 : index
      %get3A_208 = arith.constant 2048 : index
      %get3A_209 = vector.load %arg14[%get3A_207, %get3A_208] : memref<512x4096xbf16, #tpu.memory_space<vmem>>, vector<512x2048xbf16>
      %get3A_210 = arith.constant 2048 : index
      %get3A_211 = arith.constant 0 : index
      %get3A_212 = vector.load %arg13[%get3A_210, %get3A_211] : memref<4096x1024xbf16, #tpu.memory_space<vmem>>, vector<2048x1024xbf16>
      %dot_general3A = arith.constant dense<0.000000e+00> : vector<512x1024xf32>
      %dot_general3A_213 = tpu.matmul %get3A_209, %get3A_212, %dot_general3A {dimension_numbers = #tpu.dot_dimension_numbers<[1], [0], [0], [1], [0, 0, 1, 1], [], []>, transpose_lhs_hint = false} : vector<512x2048xbf16>, vector<2048x1024xbf16>, vector<512x1024xf32> -> vector<512x1024xf32>
      %get3A_214 = arith.constant 0 : index
      %get3A_215 = arith.constant 0 : index
      %get3A_216 = vector.load %arg9[%get3A_214, %get3A_215] : memref<512x1024xf32, #tpu.memory_space<vmem>>, vector<512x1024xf32>
      %add3A_217 = arith.addf %get3A_216, %dot_general3A_213 : vector<512x1024xf32>
      %get3A_218 = arith.constant 0 : index
      %get3A_219 = arith.constant 0 : index
      %get3A_220 = vector.load %arg8[%get3A_218, %get3A_219] : memref<512x128xf32, #tpu.memory_space<vmem>>, vector<512x1xf32>
      %mul3A = vector.broadcast %get3A_220 : vector<512x1xf32> to vector<512x1024xf32>
      %mul3A_221 = arith.mulf %add3A_217, %mul3A : vector<512x1024xf32>
      %swap3A = arith.constant 0 : index
      %swap3A_222 = arith.constant 0 : index
      %swap3A_223 = vector.load %arg9[%swap3A, %swap3A_222] : memref<512x1024xf32, #tpu.memory_space<vmem>>, vector<512x1024xf32>
      tpu.vector_store %arg9[%swap3A, %swap3A_222], %mul3A_221 {strides = array<i32>} : memref<512x1024xf32, #tpu.memory_space<vmem>>, vector<512x1024xf32>,
    } else {
    }
    return
  }
  func.func @transform_0(%arg0: i32, %arg1: i32, %arg2: memref<256xi32, #tpu.memory_space<smem>>) -> (i32, i32) {
    %sub3A = arith.constant 1 : i32
    %sub3A_0 = arith.subi %arg0, %sub3A : i32
    %max3A = arith.constant 0 : i32
    %max3A_1 = arith.maxsi %sub3A_0, %max3A : i32
    %c0_i32 = arith.constant 0 : i32
    %c0_i32_2 = arith.constant 0 : i32
    return %max3A_1, %c0_i32 : i32, i32
  }
  func.func @transform_1(%arg0: i32, %arg1: i32, %arg2: memref<256xi32, #tpu.memory_space<smem>>) -> (i32, i32, i32) {
    %sub3A = arith.constant 1 : i32
    %sub3A_0 = arith.subi %arg0, %sub3A : i32
    %max3A = arith.constant 0 : i32
    %max3A_1 = arith.maxsi %sub3A_0, %max3A : i32
    %get3A = arith.index_cast %max3A_1 : i32 to index
    %get3A_2 = memref.load %arg2[%get3A] : memref<256xi32, #tpu.memory_space<smem>>
    %add3A = arith.constant 128 : i32
    %add3A_3 = arith.addi %add3A, %max3A_1 : i32
    %get3A_4 = arith.index_cast %add3A_3 : i32 to index
    %get3A_5 = memref.load %arg2[%get3A_4] : memref<256xi32, #tpu.memory_space<smem>>
    %add3A_6 = arith.constant 160 : i32
    %add3A_7 = arith.addi %add3A_6, %max3A_1 : i32
    %get3A_8 = arith.index_cast %add3A_7 : i32 to index
    %get3A_9 = memref.load %arg2[%get3A_8] : memref<256xi32, #tpu.memory_space<smem>>
    %add3A_10 = arith.constant 192 : i32
    %add3A_11 = arith.addi %add3A_10, %max3A_1 : i32
    %get3A_12 = arith.index_cast %add3A_11 : i32 to index
    %get3A_13 = memref.load %arg2[%get3A_12] : memref<256xi32, #tpu.memory_space<smem>>
    %sub3A_14 = arith.constant 1 : i32
    %sub3A_15 = arith.subi %get3A_13, %sub3A_14 : i32
    %min3A = arith.minsi %arg1, %sub3A_15 : i32
    %add3A_16 = arith.addi %get3A_9, %min3A : i32
    %eq3A = arith.constant 0 : i32
    %eq3A_17 = arith.cmpi eq, %arg0, %eq3A : i32
    %get3A_18 = arith.constant 0 : index
    %get3A_19 = memref.load %arg2[%get3A_18] : memref<256xi32, #tpu.memory_space<smem>>
    %ge3A = arith.constant 0 : i32
    %ge3A_20 = arith.cmpi sge, %add3A_16, %ge3A : i32
    %select_n3A = arith.select %ge3A_20, %get3A_5, %get3A_2 : i32
    %select_n3A_21 = arith.select %eq3A_17, %get3A_19, %select_n3A : i32
    %eq3A_22 = arith.constant 0 : i32
    %eq3A_23 = arith.cmpi eq, %arg0, %eq3A_22 : i32
    %ge3A_24 = arith.constant 0 : i32
    %ge3A_25 = arith.cmpi sge, %add3A_16, %ge3A_24 : i32
    %min3A_26 = arith.constant 3 : i32
    %min3A_27 = arith.minsi %add3A_16, %min3A_26 : i32
    %jit3A = arith.constant 3 : i32
    %select_n3A_28 = arith.select %ge3A_25, %min3A_27, %jit3A : i32
    %select_n3A_29 = arith.select %eq3A_23, %arg1, %select_n3A_28 : i32
    %c0_i32 = arith.constant 0 : i32
    %c0_i32_30 = arith.constant 0 : i32
    return %select_n3A_21, %c0_i32, %select_n3A_29 : i32, i32, i32
  }
  func.func @transform_2(%arg0: i32, %arg1: i32, %arg2: memref<256xi32, #tpu.memory_space<smem>>) -> (i32, i32, i32) {
    %sub3A = arith.constant 1 : i32
    %sub3A_0 = arith.subi %arg0, %sub3A : i32
    %max3A = arith.constant 0 : i32
    %max3A_1 = arith.maxsi %sub3A_0, %max3A : i32
    %get3A = arith.index_cast %max3A_1 : i32 to index
    %get3A_2 = memref.load %arg2[%get3A] : memref<256xi32, #tpu.memory_space<smem>>
    %c0_i32 = arith.constant 0 : i32
    %c0_i32_3 = arith.constant 0 : i32
    %c0_i32_4 = arith.constant 0 : i32
    return %get3A_2, %c0_i32, %c0_i32_3 : i32, i32, i32
  }
  func.func @transform_3(%arg0: i32, %arg1: i32, %arg2: memref<256xi32, #tpu.memory_space<smem>>) -> (i32, i32, i32) {
    %sub3A = arith.constant 1 : i32
    %sub3A_0 = arith.subi %arg0, %sub3A : i32
    %max3A = arith.constant 0 : i32
    %max3A_1 = arith.maxsi %sub3A_0, %max3A : i32
    %get3A = arith.index_cast %max3A_1 : i32 to index
    %get3A_2 = memref.load %arg2[%get3A] : memref<256xi32, #tpu.memory_space<smem>>
    %add3A = arith.constant 128 : i32
    %add3A_3 = arith.addi %add3A, %max3A_1 : i32
    %get3A_4 = arith.index_cast %add3A_3 : i32 to index
    %get3A_5 = memref.load %arg2[%get3A_4] : memref<256xi32, #tpu.memory_space<smem>>
    %add3A_6 = arith.constant 160 : i32
    %add3A_7 = arith.addi %add3A_6, %max3A_1 : i32
    %get3A_8 = arith.index_cast %add3A_7 : i32 to index
    %get3A_9 = memref.load %arg2[%get3A_8] : memref<256xi32, #tpu.memory_space<smem>>
    %add3A_10 = arith.constant 192 : i32
    %add3A_11 = arith.addi %add3A_10, %max3A_1 : i32
    %get3A_12 = arith.index_cast %add3A_11 : i32 to index
    %get3A_13 = memref.load %arg2[%get3A_12] : memref<256xi32, #tpu.memory_space<smem>>
    %sub3A_14 = arith.constant 1 : i32
    %sub3A_15 = arith.subi %get3A_13, %sub3A_14 : i32
    %min3A = arith.minsi %arg1, %sub3A_15 : i32
    %add3A_16 = arith.addi %get3A_9, %min3A : i32
    %eq3A = arith.constant 0 : i32
    %eq3A_17 = arith.cmpi eq, %arg0, %eq3A : i32
    %get3A_18 = arith.constant 0 : index
    %get3A_19 = memref.load %arg2[%get3A_18] : memref<256xi32, #tpu.memory_space<smem>>
    %ge3A = arith.constant 0 : i32
    %ge3A_20 = arith.cmpi sge, %add3A_16, %ge3A : i32
    %select_n3A = arith.select %ge3A_20, %get3A_5, %get3A_2 : i32
    %select_n3A_21 = arith.select %eq3A_17, %get3A_19, %select_n3A : i32
    %eq3A_22 = arith.constant 0 : i32
    %eq3A_23 = arith.cmpi eq, %arg0, %eq3A_22 : i32
    %ge3A_24 = arith.constant 0 : i32
    %ge3A_25 = arith.cmpi sge, %add3A_16, %ge3A_24 : i32
    %min3A_26 = arith.constant 3 : i32
    %min3A_27 = arith.minsi %add3A_16, %min3A_26 : i32
    %jit3A = arith.constant 3 : i32
    %select_n3A_28 = arith.select %ge3A_25, %min3A_27, %jit3A : i32
    %select_n3A_29 = arith.select %eq3A_23, %arg1, %select_n3A_28 : i32
    %c0_i32 = arith.constant 0 : i32
    %c0_i32_30 = arith.constant 0 : i32
    return %select_n3A_21, %select_n3A_29, %c0_i32 : i32, i32, i32
  }
  func.func @transform_4(%arg0: i32, %arg1: i32, %arg2: memref<256xi32, #tpu.memory_space<smem>>) -> (i32, i32, i32) {
    %sub3A = arith.constant 1 : i32
    %sub3A_0 = arith.subi %arg0, %sub3A : i32
    %max3A = arith.constant 0 : i32
    %max3A_1 = arith.maxsi %sub3A_0, %max3A : i32
    %get3A = arith.index_cast %max3A_1 : i32 to index
    %get3A_2 = memref.load %arg2[%get3A] : memref<256xi32, #tpu.memory_space<smem>>
    %c0_i32 = arith.constant 0 : i32
    %c0_i32_3 = arith.constant 0 : i32
    %c0_i32_4 = arith.constant 0 : i32
    return %get3A_2, %c0_i32, %c0_i32_3 : i32, i32, i32
  }
  func.func @transform_5(%arg0: i32, %arg1: i32, %arg2: memref<256xi32, #tpu.memory_space<smem>>) -> (i32, i32) {
    %sub3A = arith.constant 1 : i32
    %sub3A_0 = arith.subi %arg0, %sub3A : i32
    %max3A = arith.constant 0 : i32
    %max3A_1 = arith.maxsi %sub3A_0, %max3A : i32
    %c0_i32 = arith.constant 0 : i32
    %c0_i32_2 = arith.constant 0 : i32
    return %max3A_1, %c0_i32 : i32, i32
  }
  func.func @transform_6(%arg0: i32, %arg1: i32, %arg2: memref<256xi32, #tpu.memory_space<smem>>) -> (i32, i32) {
    %sub3A = arith.constant 1 : i32
    %sub3A_0 = arith.subi %arg0, %sub3A : i32
    %max3A = arith.constant 0 : i32
    %max3A_1 = arith.maxsi %sub3A_0, %max3A : i32
    %c0_i32 = arith.constant 0 : i32
    %c0_i32_2 = arith.constant 0 : i32
    return %max3A_1, %c0_i32 : i32, i32
  }
}

</mosaic_0001>

<sc_bundles>
// kernel: kernel.6.cloned.1.call-start
scs
__scs_entry_jumppad:
0x0: {  	(pc) =	sbr.rel $0x88, $3  }
0x1: {  	(tag) =	ssettag $0x0;
	lr =	simm.s32 $0x1  }
0x2: {  	[smem:$0x3F9A] =	sst lr;
	_ =	strace $0xD0000000  }
0x3: {  	_ = 	snop  }
0x4: {  	_ = 	snop  }
0x5: {  	_ = 	snop  }
0x6: {  	_ = 	snop  }
0x7: {  	_ = 	snop  }
__scs_overlays_trampoline_lowered:
0x8: {  	[smem:$0x3FA9] =	sst s0  }
0x9: {  	[smem:$0x3FAA] =	sst s1  }
0xa: {  	[smem:$0x3FAB] =	sst s2  }
0xb: {  	[smem:$0x3FAC] =	sst s3  }
0xc: {  	[smem:$0x3FAD] =	sst s4  }
0xd: {  	[smem:$0x3FAE] =	sst s5  }
0xe: {  	[smem:$0x3FAF] =	sst s6  }
0xf: {  	[smem:$0x3FB0] =	sst s7  }
0x10: {  	[smem:$0x3FB1] =	sst s8  }
0x11: {  	[smem:$0x3FB2] =	sst s9;
	s0 =	simm.s32 @!p0 $0x0  }
0x12: {  	s1 =	sld [smem:$0x3F98];
	s0 =	simm.s32 @p0 $0x1  }
0x13: {  	[smem:$0x3FB3] =	sst s0;
	s0 =	simm.s32 @!p1 $0x0  }
0x14: {  	s2 =	sld [smem:$0x3F97];
	s0 =	simm.s32 @p1 $0x1  }
0x15: {  	[smem:$0x3FB4] =	sst s0;
	s0 =	simm.s32 @!p2 $0x0  }
0x16: {  	s3 =	sld [smem:$0x3FDB];
	s0 =	simm.s32 @p2 $0x1  }
0x17: {  	s4 =	simm.s32 $0x1BF5;
	[smem:$0x3FB6] =	sst s0  }
0x18: {  	s0 =	sld [smem:$0x3F99];
	_ =	swait.ge [sflag:s4], $0x0  }
0x19: {  	s7 =	sld [smem:$0x3F9A]  }
0x1a: {  	s8 =	sadd.s32 $0xFFFFE003, lr  }
0x1b: {  	s9 =	sadd.s32 $0xFFFFFEF7, lr;
	s5 =	simm.s32 $0xFFFFFFFF;
	p2 =	slt.u32 s8, $0xFFFFF086  }
0x1c: {  	p1 =	slt.u32 s9, $0xF7A;
	s5 =	simm.s32 @!p2 $0x0  }
0x1d: {  	s5 =	simm.s32 @p1 $0x1;
	p0 =	seq.s32 s7, s2  }
0x1e: {  	s7 =	smul.u32 @!p0 $0xF7A, s2;
	p2 =	seq.s32 @!p0 s5, $0x0  }
0x1f: {  	s9 =	smul.u32 $0xF7A, s1;
	s8 =	simm.s32 @!p0 $0x1BF5;
	p2 =	por !p2, p0  }
0x20: {  	[sflag:s8] =	ssyncset.s32 @!p0 $0xFFFFF086;
	s6 =	sadd.s32 @!p0 s3, s7;
	s7 =	simm.s32 @!p0 $0x108  }
0x21: {  	s3 =	sadd.s32 s3, s9;
	s6 =	sadd.s32 @!p0 $0x88, s6;
	s7 =	simm.s32 @p2 $0x1082  }
0x22: {  	[simem:s7], [sflag:s8] =	dma.local @!p0 [hbm:s6], $0xF7A  }
0x23: {  	s9 =	sor.u32 $0xD0000000, s2;
	s6 =	simm.s32 $0x108;
	_ =	swait.ge @!p0 [sflag:s8], $0x0  }
0x24: {  	s3 =	sadd.s32 $0x88, s3;
	s6 =	simm.s32 @!p1 $0x1082;
	[sflag:s4] =	ssyncset.s32 $0xFFFFF086  }
0x25: {  	[simem:s6], [sflag:s4] =	dma.local [hbm:s3], $0xF7A  }
0x26: {  	[smem:$0x3F9A] =	sst s1;
	(tag) =	ssettag s2;
	_ =	strace s9  }
0x27: {  	s1 =	sld [smem:$0x3FAA]  }
0x28: {  	s2 =	sld [smem:$0x3FAB]  }
0x29: {  	s4 =	sld [smem:$0x3FAD]  }
0x2a: {  	p0 =	seq.s32 s5, $0x0;
	s5 =	sld [smem:$0x3FAE]  }
0x2b: {  	s6 =	sld [smem:$0x3FAF]  }
0x2c: {  	s7 =	sld [smem:$0x3FB0]  }
0x2d: {  	s3 =	simm.s32 $0x108;
	s8 =	sld [smem:$0x3FB1]  }
0x2e: {  	s3 =	simm.s32 @!p0 $0x1082;
	s9 =	sld [smem:$0x3FB2]  }
0x2f: {  	lr =	sadd.s32 s0, s3;
	s0 =	sld [smem:$0x3FA9]  }
0x30: {  	s3 =	sld [smem:$0x3FAC]  }
0x31: {  	[smem:$0x3FB5] =	sst s10  }
0x32: {  	s10 =	sld [smem:$0x3FB3];
	_ =	sdelay $0x3  }
0x33: {  	p0 =	seq.s32 s10, $0x1;
	s10 =	sld [smem:$0x3FB5];
	_ =	sdelay $0x3  }
0x34: {  	[smem:$0x3FB5] =	sst s10  }
0x35: {  	s10 =	sld [smem:$0x3FB4];
	_ =	sdelay $0x3  }
0x36: {  	p1 =	seq.s32 s10, $0x1;
	s10 =	sld [smem:$0x3FB5];
	_ =	sdelay $0x3  }
0x37: {  	[smem:$0x3FB5] =	sst s10  }
0x38: {  	s10 =	sld [smem:$0x3FB6]  }
0x39: {  	_ = 	snop;
	(pc) =	sbr.ind lr, $3  }
0x3a: {  	_ = 	snop  }
0x3b: {  	_ = 	snop  }
0x3c: {  	p2 =	seq.s32 s10, $0x1;
	s10 =	sld [smem:$0x3FB5]  }
0x3d: {  	_ =	shalt  }
0x3e: {  	_ =	shalt  }
0x3f: {  	_ =	shalt  }
0x40: {  	_ =	shalt  }
0x41: {  	_ =	shalt  }
0x42: {  	_ =	shalt  }
0x43: {  	_ =	shalt  }
0x44: {  	_ =	shalt  }
0x45: {  	_ =	shalt  }
0x46: {  	_ =	shalt  }
0x47: {  	_ =	shalt  }
0x48: {  	_ =	shalt  }
0x49: {  	_ =	shalt  }
0x4a: {  	_ =	shalt  }
0x4b: {  	_ =	shalt  }
0x4c: {  	_ =	shalt  }
0x4d: {  	_ =	shalt  }
0x4e: {  	_ =	shalt  }
0x4f: {  	_ =	shalt  }
0x50: {  	_ =	shalt  }
0x51: {  	_ =	shalt  }
0x52: {  	_ =	shalt  }
0x53: {  	_ =	shalt  }
0x54: {  	_ =	shalt  }
0x55: {  	_ =	shalt  }
0x56: {  	_ =	shalt  }
0x57: {  	_ =	shalt  }
0x58: {  	_ =	shalt  }
0x59: {  	_ =	shalt  }
0x5a: {  	_ =	shalt  }
0x5b: {  	_ =	shalt  }
0x5c: {  	_ =	shalt  }
0x5d: {  	_ =	shalt  }
0x5e: {  	_ =	shalt  }
0x5f: {  	_ =	shalt  }
0x60: {  	_ =	shalt  }
0x61: {  	_ =	shalt  }
0x62: {  	_ =	shalt  }
0x63: {  	_ =	shalt  }
0x64: {  	_ =	shalt  }
0x65: {  	_ =	shalt  }
0x66: {  	_ =	shalt  }
0x67: {  	_ =	shalt  }
0x68: {  	_ =	shalt  }
0x69: {  	_ =	shalt  }
0x6a: {  	_ =	shalt  }
0x6b: {  	_ =	shalt  }
0x6c: {  	_ =	shalt  }
0x6d: {  	_ =	shalt  }
0x6e: {  	_ =	shalt  }
0x6f: {  	_ =	shalt  }
0x70: {  	_ =	shalt  }
0x71: {  	_ =	shalt  }
0x72: {  	_ =	shalt  }
0x73: {  	_ =	shalt  }
0x74: {  	_ =	shalt  }
0x75: {  	_ =	shalt  }
0x76: {  	_ =	shalt  }
0x77: {  	_ =	shalt  }
0x78: {  	_ =	shalt  }
0x79: {  	_ =	shalt  }
0x7a: {  	_ =	shalt  }
0x7b: {  	_ =	shalt  }
0x7c: {  	_ =	shalt  }
0x7d: {  	_ =	shalt  }
0x7e: {  	_ =	shalt  }
0x7f: {  	_ =	shalt  }
0x80: {  	_ =	shalt  }
0x81: {  	_ =	shalt  }
0x82: {  	_ =	shalt  }
0x83: {  	_ =	shalt  }
0x84: {  	_ =	shalt  }
0x85: {  	_ =	shalt  }
0x86: {  	_ =	shalt  }
0x87: {  	_ =	shalt  }
.Lfunc_end0:
.L_simem_size_0:
called_computation_lowered:
.L_overlay_start_0:
0x88: {  	s2 =	sld [smem:$0x3FD9]  }
0x89: {  	s3 =	sld [smem:$0x3FFE];
	_ =	sdelay $0x1  }
0x8a: {  	s1 =	srdreg.scid  }
0x8b: {  	s0 =	sand.u32 $0x1, s1  }
0x8c: {  	s17 =	sshll.u32 s0, $0xA;
	s2 =	sadd.s32 s3, s2  }
0x8d: {  	s2 =	sadd.s32 s2, s17  }
0x8e: {  	[smem:$0x3FC1] =	sst s2  }
0x8f: {  	_ = 	snop  }
0x90: {  	s2 =	sld [smem:$0x3FC9]  }
0x91: {  	s18 =	sld [smem:$0x3FD0];
	(tm) =	ssettm $0x1  }
0x92: {  	s4 =	sld [smem:$0x3FFB];
	_ =	sdelay $0x3  }
0x93: {  	_ =	strace s4  }
0x94: {  	s4 =	sld [smem:$0x3FFC];
	_ =	sdelay $0x3  }
0x95: {  	_ =	strace s4  }
0x96: {  	s4 =	sld [smem:$0x3FFD];
	_ =	sdelay $0x3  }
0x97: {  	_ =	strace s4  }
0x98: {  	_ =	strace $0x8FFFFFFF  }
0x99: {  	s19 =	sld [smem:$0x3FDB];
	_ =	sdelay $0x1  }
0x9a: {  	s5 =	simm.s32 $_scs_section_size  }
0x9b: {  	s6 =	simm.s32 $_size__tile_overlayer_lowered;
	s7 =	simm.s32 $_tile_overlayer_lowered  }
0x9c: {  	s22 =	simm.s32 $0x1BFF;
	s21 =	sshll.u32 s7, $0x1;
	s4 =	sadd.s32 s5, s19  }
0x9d: {  	s8 =	simm.s32 $0x0;
	s20 =	sshll.u32 s6, $0x1;
	s6 =	sadd.s32 s21, s4  }
0x9e: {  	[timem:s8], [sflag:s22] =	dma.local [hbm:s6], s20  }
0x9f: {  	_ =	swait.ge [sflag:s22], s20  }
0xa0: {  	s5 =	ssub.s32 $0x0, s20;
	[sflag:s22] =	ssyncset.done $0x0  }
0xa1: {  	[sflag:s22] =	ssyncadd.s32 s5;
	_ =	sdelay $0x1  }
0xa2: {  	s23 =	simm.s32 $0x1B8B  }
0xa3: {  	_ =	swait.ge [sflag:s23], $0x1  }
0xa4: {  	[sflag:s23] =	ssyncset.done $0x0  }
0xa5: {  	s25 =	simm.s32 $0x1B8E;
	s24 =	sld [smem:$0x3FFE];
	[sflag:s23] =	ssyncadd.s32 $0xFFFFFFFF  }
0xa6: {  	s26 =	simm.s32 $execute0_lowered;
	[smem:$0x3FD2] =	sst s25  }
0xa7: {  	s6 =	sshll.u32 s26, $0x1;
	_ =	strace $0x80000046;
	[dreg:$0x1] =	wrdreg $0xFFFFFFFF  }
0xa8: {  	s28 =	simm.s32 $_size_execute0_lowered;
	s4 =	sadd.s32 s4, s6;
	[dreg:$0x0] =	wrdreg $0x0  }
0xa9: {  	s6 =	sshll.u32 s28, $0x1;
	[dreg:$0x2] =	wrdreg s4  }
0xaa: {  	[dreg:$0x3] =	wrdreg s6  }
0xab: {  	[dreg:$0x4] =	wrdreg $0xC0  }
0xac: {  	_ =	task [dreg:s8], $0x5FFFF  }
0xad: {  	[dreg:$0x1] =	wrdreg $0xFFFFFFFF  }
0xae: {  	[dreg:$0x0] =	wrdreg $0x60  }
0xaf: {  	[dreg:$0x2] =	wrdreg s2  }
0xb0: {  	[dreg:$0x3] =	wrdreg s24  }
0xb1: {  	[dreg:$0x4] =	wrdreg s18  }
0xb2: {  	[dreg:$0x5] =	wrdreg $0x9  }
0xb3: {  	_ =	task.clear_ibuf [dreg:s8], $0x6FFFF;
	_ =	strace $0x90000046  }
0xb4: {  	s29 =	simm.s32 $0x9;
	_ =	strace $0x80000048  }
0xb5: {  	_ =	swait.ge [sflag:s29], $0x1  }
0xb6: {  	[sflag:s29] =	ssyncadd.s32 $0xFFFFFFFF  }
0xb7: {  	_ =	strace $0x90000048  }
0xb8: {  	_ =	sfence  }
0xb9: {  	s30 =	sld [smem:$0x0];
	_ =	sdelay $0x2  }
0xba: {  	s31 =	sshll.u32 s1, $0xD;
	s1 =	sshrl.u32 s1, $0x2  }
0xbb: {  	s3 =	sand.u32 $0x4000, s31;
	s1 =	sadd.s32 s1, s30  }
0xbc: {  	s0 =	sor.u32 s3, s0;
	s1 =	sshll.u32 s1, $0x11  }
0xbd: {  	s0 =	sor.u32 s1, s0  }
0xbe: {  	s0 =	sadd.s32 $0x8F2B, s0  }
0xbf: {  	[sflag:s0] =	ssyncadd.remote.s32 $0x1  }
0xc0: {  	_ =	sfence.sel $0xFFFF  }
0xc1: {  	[dreg:$0x0] =	wrdreg $0xFFFFFFFF;
	(pc) =	sbr.abs _section_cstart, $3  }
0xc2: {  	[dreg:$0x1] =	wrdreg $0xFFFFFFFF  }
0xc3: {  	_ =	task.clear_ibuf [dreg:s8], $0x2FFFF;
	_ =	strace $0x9FFFFFFF  }
0xc4: {  	(tm) =	ssettm $0x7FFFFFFF  }
0xc5: {  	_ =	shalt  }
tec
execute0_lowered:
.L_overlay_start_1:
0x0: {  	(tag) =	ssettag $0x1  }
0x1: {  	s0 =	rddreg [dreg:$0x0]  }
0x2: {  	s1 =	rddreg [dreg:$0x1]  }
0x3: {  	s2 =	srdreg.scid;
	s3 =	simm.s32 $0x0;
	s5 =	stileid.u32  }
0x4: {  	s9 =	simm.s32 $0x2;
	s26 =	simm.s32 $0x80;
	s19 =	simm.s32 $0x1  }
0x5: {  	s28 =	simm.s32 $0x2100;
	s29 =	simm.s32 $0x2900;
	s30 =	simm.s32 $0x3100  }
0x6: {  	s31 =	simm.s32 $0x3900;
	s11 =	simm.s32 $0x5900;
	s12 =	simm.s32 $0x6100  }
0x7: {  	s13 =	simm.s32 $0x6900;
	s14 =	simm.s32 $0x7100;
	s15 =	simm.s32 $0x7900  }
0x8: {  	s16 =	simm.s32 $0x8100;
	s17 =	simm.s32 $0x8900;
	s18 =	simm.s32 $0x9100  }
0x9: {  	s10 =	simm.s32 $0xA100;
	s2 =	sand.u32 $0x1, s2;
	[smem:$0x7FF] =	sst s3  }
0xa: {  	s6 =	sadd.s32 $0x1400, s1;
	s4 =	sshll.u32 s2, $0x4;
	_ =	strace $0x80000047  }
0xb: {  	s2 =	ssub.s32 $0x2, s2;
	[dreg:$0x9] =	wrdreg s26;
	s5 =	sor.u32 s5, s4  }
0xc: {  	s26 =	simm.s32 $0x1900;
	s8 =	sshrl.u32 s2, $0x1;
	s4 =	sshll.u32 s5, $0x5  }
0xd: {  	s2 =	ssub.s32 s2, s8;
	s21 =	sshll.u32 s5, $0xE;
	s22 =	sshll.u32 s5, $0x4  }
0xe: {  	s5 =	sshll.u32 s5, $0xB;
	s7 =	sadd.s32 s4, s1;
	s4 =	sadd.s32 $0x11800, s1  }
0xf: {  	s8 =	sor.u32 $0x8, s22;
	s5 =	sadd.s32 s6, s5;
	s7 =	sadd.s32 $0x11400, s7  }
0x10: {  	s23 =	sshll.u32 s8, $0xA;
	[dreg:$0x6] =	wrdreg s5;
	s24 =	sshll.u32 s8, $0x7  }
0x11: {  	s5 =	sadd.s32 $0x11900, s1;
	s8 =	smax.u32 s2, $0x1;
	s2 =	simm.s32 $0x4900  }
0x12: {  	[dreg:$0x4] =	wrdreg s7;
	s7 =	sadd.s32 s0, s21;
	s0 =	sadd.s32 s0, s23  }
0x13: {  	v2 =	vlaneseq.u32;
	s25 =	sadd.s32 s6, s24;
	s6 =	sadd.s32 $0x11A00, s1;
	[dreg:$0x5] =	wrdreg s7  }
0x14: {  	vm0 =	vmmov $0xffff;
	v1 =	vshrl.u32 v2, $0x3;
	s24 =	simm.s32 $0x900;
	s21 =	simm.s32 $0x9900;
	[dreg:$0x7] =	wrdreg s0  }
0x15: {  	v0 =	vand.u32 $0x7, v2;
	v2 =	vor.u32 $0x8, v2;
	v1 =	vmul.u32 $0x8, v1;
	s7 =	sadd.s32 $0x11B00, s1;
	[dreg:$0x8] =	wrdreg s25;
	s25 =	simm.s32 $0x1100  }
.LBB2_1:
0x16: {  	s22 =	rddreg [dreg:$0x4]  }
0x17: {  	[tilespmem:s3], [sflag:$0x2] =	stream.linear.gather [hbm4b:s22+s3], $0x100, $0x38;
	[tilespmem:$0x12100] =	vst v63  }
0x18: {  	_ =	swait.ge [sflag:s9], $0x100  }
0x19: {  	[sflag:s9] =	ssyncset.done $0x0  }
0x1a: {  	s20 =	simm.s32 $0x100;
	s1 =	rddreg [dreg:$0x5];
	[sflag:s9] =	ssyncadd.s32 $0xFFFFFF00  }
0x1b: {  	[tilespmem:s20], [sflag:$0x2] =	stream.linear.gather [hbm4b:s1+s3], $0x10000, $0x38;
	[tilespmem:$0x12100] =	vst v63  }
0x1c: {  	_ =	swait.ge [sflag:s9], $0x10000  }
0x1d: {  	[sflag:s9] =	ssyncset.done $0x0  }
0x1e: {  	[sflag:s9] =	ssyncadd.s32 $0xFFFF0000  }
0x1f: {  	v3 =	vld [tilespmem:$0x0];
	_ =	sdelay $0x4  }
0x20: {  	v4 =	vshll.u32 v3, $0x3  }
0x21: {  	v3 =	vand.u32 $0x7, v3;
	v4 =	vand.u32 $0xFFFFFFC0, v4  }
0x22: {  	v3 =	vor.u32 v3, v4  }
0x23: {  	v4 =	vperm.xlane v3, v0;
	_ =	sdelay $0x1  }
0x24: {  	v4 =	vadd.s32 v1, v4;
	_ =	sdelay $0x4  }
0x25: {  	[hbm4b:s4+s3] =	stream.indirect_vreg.scatter [tilespmem:s20], [sflag:$0x1], $0x80, v4, vm0, $0xb8;
	[tilespmem:$0x12100] =	vst v63  }
0x26: {  	v3 =	vperm.xlane v3, v2  }
0x27: {  	[hbm4b:s5+s3] =	stream.indirect_vreg.scatter [tilespmem:s24], [sflag:$0x1], $0x80, v4, vm0, $0xb8;
	[tilespmem:$0x12100] =	vst v63  }
0x28: {  	v3 =	vadd.s32 v1, v3  }
0x29: {  	[hbm4b:s6+s3] =	stream.indirect_vreg.scatter [tilespmem:s25], [sflag:$0x1], $0x80, v4, vm0, $0xb8;
	[tilespmem:$0x12100] =	vst v63  }
0x2a: {  	_ = 	snop  }
0x2b: {  	[hbm4b:s7+s3] =	stream.indirect_vreg.scatter [tilespmem:s26], [sflag:$0x1], $0x80, v4, vm0, $0xb8;
	[tilespmem:$0x12100] =	vst v63  }
0x2c: {  	_ = 	snop  }
0x2d: {  	[hbm4b:s4+s3] =	stream.indirect_vreg.scatter [tilespmem:s28], [sflag:$0x1], $0x80, v3, vm0, $0xb8;
	[tilespmem:$0x12100] =	vst v63  }
0x2e: {  	_ = 	snop  }
0x2f: {  	[hbm4b:s5+s3] =	stream.indirect_vreg.scatter [tilespmem:s29], [sflag:$0x1], $0x80, v3, vm0, $0xb8;
	[tilespmem:$0x12100] =	vst v63  }
0x30: {  	_ = 	snop  }
0x31: {  	[hbm4b:s6+s3] =	stream.indirect_vreg.scatter [tilespmem:s30], [sflag:$0x1], $0x80, v3, vm0, $0xb8;
	[tilespmem:$0x12100] =	vst v63  }
0x32: {  	_ = 	snop  }
0x33: {  	[hbm4b:s7+s3] =	stream.indirect_vreg.scatter [tilespmem:s31], [sflag:$0x1], $0x80, v3, vm0, $0xb8;
	[tilespmem:$0x12100] =	vst v63  }
0x34: {  	v3 =	vld [tilespmem:$0x10];
	_ =	sdelay $0x4  }
0x35: {  	v57 =	vshll.u32 v3, $0x3  }
0x36: {  	v3 =	vand.u32 $0x7, v3;
	v4 =	vand.u32 $0xFFFFFFC0, v57  }
0x37: {  	v3 =	vor.u32 v3, v4  }
0x38: {  	v4 =	vperm.xlane v3, v0;
	_ =	sdelay $0x1  }
0x39: {  	v4 =	vadd.s32 v1, v4;
	_ =	sdelay $0x3  }
0x3a: {  	s0 =	simm.s32 $0x4100  }
0x3b: {  	[hbm4b:s4+s3] =	stream.indirect_vreg.scatter [tilespmem:s0], [sflag:$0x1], $0x80, v4, vm0, $0xb8;
	[tilespmem:$0x12100] =	vst v63  }
0x3c: {  	v3 =	vperm.xlane v3, v2  }
0x3d: {  	[hbm4b:s5+s3] =	stream.indirect_vreg.scatter [tilespmem:s2], [sflag:$0x1], $0x80, v4, vm0, $0xb8;
	[tilespmem:$0x12100] =	vst v63  }
0x3e: {  	s1 =	simm.s32 $0x5100;
	v3 =	vadd.s32 v1, v3  }
0x3f: {  	[hbm4b:s6+s3] =	stream.indirect_vreg.scatter [tilespmem:s1], [sflag:$0x1], $0x80, v4, vm0, $0xb8;
	[tilespmem:$0x12100] =	vst v63  }
0x40: {  	_ = 	snop  }
0x41: {  	[hbm4b:s7+s3] =	stream.indirect_vreg.scatter [tilespmem:s11], [sflag:$0x1], $0x80, v4, vm0, $0xb8;
	[tilespmem:$0x12100] =	vst v63  }
0x42: {  	_ = 	snop  }
0x43: {  	[hbm4b:s4+s3] =	stream.indirect_vreg.scatter [tilespmem:s12], [sflag:$0x1], $0x80, v3, vm0, $0xb8;
	[tilespmem:$0x12100] =	vst v63  }
0x44: {  	_ = 	snop  }
0x45: {  	[hbm4b:s5+s3] =	stream.indirect_vreg.scatter [tilespmem:s13], [sflag:$0x1], $0x80, v3, vm0, $0xb8;
	[tilespmem:$0x12100] =	vst v63  }
0x46: {  	_ = 	snop  }
0x47: {  	[hbm4b:s6+s3] =	stream.indirect_vreg.scatter [tilespmem:s14], [sflag:$0x1], $0x80, v3, vm0, $0xb8;
	[tilespmem:$0x12100] =	vst v63  }
0x48: {  	_ = 	snop  }
0x49: {  	[hbm4b:s7+s3] =	stream.indirect_vreg.scatter [tilespmem:s15], [sflag:$0x1], $0x80, v3, vm0, $0xb8;
	[tilespmem:$0x12100] =	vst v63  }
0x4a: {  	v3 =	vld [tilespmem:$0x20];
	_ =	sdelay $0x4  }
0x4b: {  	v58 =	vshll.u32 v3, $0x3  }
0x4c: {  	v3 =	vand.u32 $0x7, v3;
	v4 =	vand.u32 $0xFFFFFFC0, v58  }
0x4d: {  	v3 =	vor.u32 v3, v4  }
0x4e: {  	v4 =	vperm.xlane v3, v0;
	_ =	sdelay $0x1  }
0x4f: {  	v4 =	vadd.s32 v1, v4;
	_ =	sdelay $0x4  }
0x50: {  	[hbm4b:s4+s3] =	stream.indirect_vreg.scatter [tilespmem:s16], [sflag:$0x1], $0x80, v4, vm0, $0xb8;
	[tilespmem:$0x12100] =	vst v63  }
0x51: {  	v3 =	vperm.xlane v3, v2  }
0x52: {  	[hbm4b:s5+s3] =	stream.indirect_vreg.scatter [tilespmem:s17], [sflag:$0x1], $0x80, v4, vm0, $0xb8;
	[tilespmem:$0x12100] =	vst v63  }
0x53: {  	v3 =	vadd.s32 v1, v3  }
0x54: {  	[hbm4b:s6+s3] =	stream.indirect_vreg.scatter [tilespmem:s18], [sflag:$0x1], $0x80, v4, vm0, $0xb8;
	[tilespmem:$0x12100] =	vst v63  }
0x55: {  	_ = 	snop  }
0x56: {  	[hbm4b:s7+s3] =	stream.indirect_vreg.scatter [tilespmem:s21], [sflag:$0x1], $0x80, v4, vm0, $0xb8;
	[tilespmem:$0x12100] =	vst v63  }
0x57: {  	_ = 	snop  }
0x58: {  	[hbm4b:s4+s3] =	stream.indirect_vreg.scatter [tilespmem:s10], [sflag:$0x1], $0x80, v3, vm0, $0xb8;
	[tilespmem:$0x12100] =	vst v63  }
0x59: {  	s22 =	simm.s32 $0xA900  }
0x5a: {  	[hbm4b:s5+s3] =	stream.indirect_vreg.scatter [tilespmem:s22], [sflag:$0x1], $0x80, v3, vm0, $0xb8;
	[tilespmem:$0x12100] =	vst v63  }
0x5b: {  	s23 =	simm.s32 $0xB100  }
0x5c: {  	[hbm4b:s6+s3] =	stream.indirect_vreg.scatter [tilespmem:s23], [sflag:$0x1], $0x80, v3, vm0, $0xb8;
	[tilespmem:$0x12100] =	vst v63  }
0x5d: {  	s22 =	simm.s32 $0xB900  }
0x5e: {  	[hbm4b:s7+s3] =	stream.indirect_vreg.scatter [tilespmem:s22], [sflag:$0x1], $0x80, v3, vm0, $0xb8;
	[tilespmem:$0x12100] =	vst v63  }
0x5f: {  	v3 =	vld [tilespmem:$0x30];
	_ =	sdelay $0x4  }
0x60: {  	v59 =	vshll.u32 v3, $0x3  }
0x61: {  	v3 =	vand.u32 $0x7, v3;
	v4 =	vand.u32 $0xFFFFFFC0, v59  }
0x62: {  	v3 =	vor.u32 v3, v4  }
0x63: {  	v4 =	vperm.xlane v3, v0;
	_ =	sdelay $0x1  }
0x64: {  	v4 =	vadd.s32 v1, v4;
	_ =	sdelay $0x3  }
0x65: {  	s23 =	simm.s32 $0xC100  }
0x66: {  	[hbm4b:s4+s3] =	stream.indirect_vreg.scatter [tilespmem:s23], [sflag:$0x1], $0x80, v4, vm0, $0xb8;
	[tilespmem:$0x12100] =	vst v63  }
0x67: {  	s22 =	simm.s32 $0xC900;
	v3 =	vperm.xlane v3, v2  }
0x68: {  	[hbm4b:s5+s3] =	stream.indirect_vreg.scatter [tilespmem:s22], [sflag:$0x1], $0x80, v4, vm0, $0xb8;
	[tilespmem:$0x12100] =	vst v63  }
0x69: {  	v3 =	vadd.s32 v1, v3;
	s23 =	simm.s32 $0xD100  }
0x6a: {  	[hbm4b:s6+s3] =	stream.indirect_vreg.scatter [tilespmem:s23], [sflag:$0x1], $0x80, v4, vm0, $0xb8;
	[tilespmem:$0x12100] =	vst v63  }
0x6b: {  	s22 =	simm.s32 $0xD900  }
0x6c: {  	[hbm4b:s7+s3] =	stream.indirect_vreg.scatter [tilespmem:s22], [sflag:$0x1], $0x80, v4, vm0, $0xb8;
	[tilespmem:$0x12100] =	vst v63  }
0x6d: {  	s23 =	simm.s32 $0xE100  }
0x6e: {  	[hbm4b:s4+s3] =	stream.indirect_vreg.scatter [tilespmem:s23], [sflag:$0x1], $0x80, v3, vm0, $0xb8;
	[tilespmem:$0x12100] =	vst v63  }
0x6f: {  	s22 =	simm.s32 $0xE900  }
0x70: {  	[hbm4b:s5+s3] =	stream.indirect_vreg.scatter [tilespmem:s22], [sflag:$0x1], $0x80, v3, vm0, $0xb8;
	[tilespmem:$0x12100] =	vst v63  }
0x71: {  	s23 =	simm.s32 $0xF100  }
0x72: {  	[hbm4b:s6+s3] =	stream.indirect_vreg.scatter [tilespmem:s23], [sflag:$0x1], $0x80, v3, vm0, $0xb8;
	[tilespmem:$0x12100] =	vst v63  }
0x73: {  	s22 =	simm.s32 $0xF900  }
0x74: {  	[hbm4b:s7+s3] =	stream.indirect_vreg.scatter [tilespmem:s22], [sflag:$0x1], $0x80, v3, vm0, $0xb8;
	[tilespmem:$0x12100] =	vst v63  }
0x75: {  	_ =	swait.ge [sflag:s19], $0x10000  }
0x76: {  	[sflag:s19] =	ssyncset.done $0x0  }
0x77: {  	s0 =	simm.s32 $0x10100;
	s23 =	rddreg [dreg:$0x6];
	[sflag:s19] =	ssyncadd.s32 $0xFFFF0000  }
0x78: {  	[tilespmem:s0], [sflag:$0x2] =	stream.linear.gather [hbm4b:s23+s3], $0x2000, $0x38;
	[tilespmem:$0x12100] =	vst v63  }
0x79: {  	_ =	swait.ge [sflag:s9], $0x2000  }
0x7a: {  	[sflag:s9] =	ssyncset.done $0x0  }
0x7b: {  	[sflag:s9] =	ssyncadd.s32 $0xFFFFE000  }
0x7c: {  	s22 =	simm.s32 $0x40;
	s23 =	rddreg [dreg:$0x2]  }
0x7d: {  	[hbm4b:s23+s22] =	stream.indirect.scatter [tilespmem:s0], [sflag:$0x1], $0x80, s3, s22, $0xb8;
	[tilespmem:$0x12100] =	vst v63  }
0x7e: {  	_ =	swait.ge [sflag:s19], $0x2000  }
0x7f: {  	[sflag:s19] =	ssyncset.done $0x0  }
0x80: {  	s22 =	rddreg [dreg:$0x7];
	[sflag:s19] =	ssyncadd.s32 $0xFFFFE000  }
0x81: {  	[tilespmem:s20], [sflag:$0x2] =	stream.linear.gather [hbm4b:s22+s3], $0x10000, $0x38;
	[tilespmem:$0x12100] =	vst v63  }
0x82: {  	_ =	swait.ge [sflag:s9], $0x10000  }
0x83: {  	[sflag:s9] =	ssyncset.done $0x0  }
0x84: {  	[sflag:s9] =	ssyncadd.s32 $0xFFFF0000  }
0x85: {  	v3 =	vld [tilespmem:$0x80];
	_ =	sdelay $0x4  }
0x86: {  	v60 =	vshll.u32 v3, $0x3  }
0x87: {  	v3 =	vand.u32 $0x7, v3;
	v4 =	vand.u32 $0xFFFFFFC0, v60  }
0x88: {  	v3 =	vor.u32 v3, v4  }
0x89: {  	v4 =	vperm.xlane v3, v0;
	_ =	sdelay $0x1  }
0x8a: {  	v4 =	vadd.s32 v1, v4;
	_ =	sdelay $0x4  }
0x8b: {  	[hbm4b:s4+s3] =	stream.indirect_vreg.scatter [tilespmem:s20], [sflag:$0x1], $0x80, v4, vm0, $0xb8;
	[tilespmem:$0x12100] =	vst v63  }
0x8c: {  	v3 =	vperm.xlane v3, v2  }
0x8d: {  	[hbm4b:s5+s3] =	stream.indirect_vreg.scatter [tilespmem:s24], [sflag:$0x1], $0x80, v4, vm0, $0xb8;
	[tilespmem:$0x12100] =	vst v63  }
0x8e: {  	v3 =	vadd.s32 v1, v3  }
0x8f: {  	[hbm4b:s6+s3] =	stream.indirect_vreg.scatter [tilespmem:s25], [sflag:$0x1], $0x80, v4, vm0, $0xb8;
	[tilespmem:$0x12100] =	vst v63  }
0x90: {  	_ = 	snop  }
0x91: {  	[hbm4b:s7+s3] =	stream.indirect_vreg.scatter [tilespmem:s26], [sflag:$0x1], $0x80, v4, vm0, $0xb8;
	[tilespmem:$0x12100] =	vst v63  }
0x92: {  	_ = 	snop  }
0x93: {  	[hbm4b:s4+s3] =	stream.indirect_vreg.scatter [tilespmem:s28], [sflag:$0x1], $0x80, v3, vm0, $0xb8;
	[tilespmem:$0x12100] =	vst v63  }
0x94: {  	_ = 	snop  }
0x95: {  	[hbm4b:s5+s3] =	stream.indirect_vreg.scatter [tilespmem:s29], [sflag:$0x1], $0x80, v3, vm0, $0xb8;
	[tilespmem:$0x12100] =	vst v63  }
0x96: {  	_ = 	snop  }
0x97: {  	[hbm4b:s6+s3] =	stream.indirect_vreg.scatter [tilespmem:s30], [sflag:$0x1], $0x80, v3, vm0, $0xb8;
	[tilespmem:$0x12100] =	vst v63  }
0x98: {  	_ = 	snop  }
0x99: {  	[hbm4b:s7+s3] =	stream.indirect_vreg.scatter [tilespmem:s31], [sflag:$0x1], $0x80, v3, vm0, $0xb8;
	[tilespmem:$0x12100] =	vst v63  }
0x9a: {  	v3 =	vld [tilespmem:$0x90];
	_ =	sdelay $0x4  }
0x9b: {  	v61 =	vshll.u32 v3, $0x3  }
0x9c: {  	v3 =	vand.u32 $0x7, v3;
	v4 =	vand.u32 $0xFFFFFFC0, v61  }
0x9d: {  	v3 =	vor.u32 v3, v4  }
0x9e: {  	v4 =	vperm.xlane v3, v0;
	_ =	sdelay $0x1  }
0x9f: {  	v4 =	vadd.s32 v1, v4;
	_ =	sdelay $0x3  }
0xa0: {  	s22 =	simm.s32 $0x4100  }
0xa1: {  	[hbm4b:s4+s3] =	stream.indirect_vreg.scatter [tilespmem:s22], [sflag:$0x1], $0x80, v4, vm0, $0xb8;
	[tilespmem:$0x12100] =	vst v63  }
0xa2: {  	v3 =	vperm.xlane v3, v2  }
0xa3: {  	[hbm4b:s5+s3] =	stream.indirect_vreg.scatter [tilespmem:s2], [sflag:$0x1], $0x80, v4, vm0, $0xb8;
	[tilespmem:$0x12100] =	vst v63  }
0xa4: {  	v3 =	vadd.s32 v1, v3  }
0xa5: {  	[hbm4b:s6+s3] =	stream.indirect_vreg.scatter [tilespmem:s1], [sflag:$0x1], $0x80, v4, vm0, $0xb8;
	[tilespmem:$0x12100] =	vst v63  }
0xa6: {  	_ = 	snop  }
0xa7: {  	[hbm4b:s7+s3] =	stream.indirect_vreg.scatter [tilespmem:s11], [sflag:$0x1], $0x80, v4, vm0, $0xb8;
	[tilespmem:$0x12100] =	vst v63  }
0xa8: {  	_ = 	snop  }
0xa9: {  	[hbm4b:s4+s3] =	stream.indirect_vreg.scatter [tilespmem:s12], [sflag:$0x1], $0x80, v3, vm0, $0xb8;
	[tilespmem:$0x12100] =	vst v63  }
0xaa: {  	_ = 	snop  }
0xab: {  	[hbm4b:s5+s3] =	stream.indirect_vreg.scatter [tilespmem:s13], [sflag:$0x1], $0x80, v3, vm0, $0xb8;
	[tilespmem:$0x12100] =	vst v63  }
0xac: {  	_ = 	snop  }
0xad: {  	[hbm4b:s6+s3] =	stream.indirect_vreg.scatter [tilespmem:s14], [sflag:$0x1], $0x80, v3, vm0, $0xb8;
	[tilespmem:$0x12100] =	vst v63  }
0xae: {  	_ = 	snop  }
0xaf: {  	[hbm4b:s7+s3] =	stream.indirect_vreg.scatter [tilespmem:s15], [sflag:$0x1], $0x80, v3, vm0, $0xb8;
	[tilespmem:$0x12100] =	vst v63  }
0xb0: {  	v3 =	vld [tilespmem:$0xA0];
	_ =	sdelay $0x4  }
0xb1: {  	v62 =	vshll.u32 v3, $0x3  }
0xb2: {  	v3 =	vand.u32 $0x7, v3;
	v4 =	vand.u32 $0xFFFFFFC0, v62  }
0xb3: {  	v3 =	vor.u32 v3, v4  }
0xb4: {  	v4 =	vperm.xlane v3, v0;
	_ =	sdelay $0x1  }
0xb5: {  	v4 =	vadd.s32 v1, v4;
	_ =	sdelay $0x4  }
0xb6: {  	[hbm4b:s4+s3] =	stream.indirect_vreg.scatter [tilespmem:s16], [sflag:$0x1], $0x80, v4, vm0, $0xb8;
	[tilespmem:$0x12100] =	vst v63  }
0xb7: {  	v3 =	vperm.xlane v3, v2  }
0xb8: {  	[hbm4b:s5+s3] =	stream.indirect_vreg.scatter [tilespmem:s17], [sflag:$0x1], $0x80, v4, vm0, $0xb8;
	[tilespmem:$0x12100] =	vst v63  }
0xb9: {  	v3 =	vadd.s32 v1, v3  }
0xba: {  	[hbm4b:s6+s3] =	stream.indirect_vreg.scatter [tilespmem:s18], [sflag:$0x1], $0x80, v4, vm0, $0xb8;
	[tilespmem:$0x12100] =	vst v63  }
0xbb: {  	_ = 	snop  }
0xbc: {  	[hbm4b:s7+s3] =	stream.indirect_vreg.scatter [tilespmem:s21], [sflag:$0x1], $0x80, v4, vm0, $0xb8;
	[tilespmem:$0x12100] =	vst v63  }
0xbd: {  	_ = 	snop  }
0xbe: {  	[hbm4b:s4+s3] =	stream.indirect_vreg.scatter [tilespmem:s10], [sflag:$0x1], $0x80, v3, vm0, $0xb8;
	[tilespmem:$0x12100] =	vst v63  }
0xbf: {  	s22 =	simm.s32 $0xA900  }
0xc0: {  	[hbm4b:s5+s3] =	stream.indirect_vreg.scatter [tilespmem:s22], [sflag:$0x1], $0x80, v3, vm0, $0xb8;
	[tilespmem:$0x12100] =	vst v63  }
0xc1: {  	s20 =	simm.s32 $0xB100  }
0xc2: {  	[hbm4b:s6+s3] =	stream.indirect_vreg.scatter [tilespmem:s20], [sflag:$0x1], $0x80, v3, vm0, $0xb8;
	[tilespmem:$0x12100] =	vst v63  }
0xc3: {  	s22 =	simm.s32 $0xB900  }
0xc4: {  	[hbm4b:s7+s3] =	stream.indirect_vreg.scatter [tilespmem:s22], [sflag:$0x1], $0x80, v3, vm0, $0xb8;
	[tilespmem:$0x12100] =	vst v63  }
0xc5: {  	v3 =	vld [tilespmem:$0xB0];
	_ =	sdelay $0x4  }
0xc6: {  	v63 =	vshll.u32 v3, $0x3  }
0xc7: {  	v3 =	vand.u32 $0x7, v3;
	v4 =	vand.u32 $0xFFFFFFC0, v63  }
0xc8: {  	v3 =	vor.u32 v3, v4  }
0xc9: {  	v4 =	vperm.xlane v3, v0;
	_ =	sdelay $0x1  }
0xca: {  	v4 =	vadd.s32 v1, v4;
	_ =	sdelay $0x3  }
0xcb: {  	s20 =	simm.s32 $0xC100  }
0xcc: {  	[hbm4b:s4+s3] =	stream.indirect_vreg.scatter [tilespmem:s20], [sflag:$0x1], $0x80, v4, vm0, $0xb8;
	[tilespmem:$0x12100] =	vst v63  }
0xcd: {  	s22 =	simm.s32 $0xC900;
	v3 =	vperm.xlane v3, v2  }
0xce: {  	[hbm4b:s5+s3] =	stream.indirect_vreg.scatter [tilespmem:s22], [sflag:$0x1], $0x80, v4, vm0, $0xb8;
	[tilespmem:$0x12100] =	vst v63  }
0xcf: {  	v3 =	vadd.s32 v1, v3;
	s20 =	simm.s32 $0xD100  }
0xd0: {  	[hbm4b:s6+s3] =	stream.indirect_vreg.scatter [tilespmem:s20], [sflag:$0x1], $0x80, v4, vm0, $0xb8;
	[tilespmem:$0x12100] =	vst v63  }
0xd1: {  	s22 =	simm.s32 $0xD900  }
0xd2: {  	[hbm4b:s7+s3] =	stream.indirect_vreg.scatter [tilespmem:s22], [sflag:$0x1], $0x80, v4, vm0, $0xb8;
	[tilespmem:$0x12100] =	vst v63  }
0xd3: {  	s20 =	simm.s32 $0xE100  }
0xd4: {  	[hbm4b:s4+s3] =	stream.indirect_vreg.scatter [tilespmem:s20], [sflag:$0x1], $0x80, v3, vm0, $0xb8;
	[tilespmem:$0x12100] =	vst v63  }
0xd5: {  	s22 =	simm.s32 $0xE900  }
0xd6: {  	[hbm4b:s5+s3] =	stream.indirect_vreg.scatter [tilespmem:s22], [sflag:$0x1], $0x80, v3, vm0, $0xb8;
	[tilespmem:$0x12100] =	vst v63  }
0xd7: {  	s20 =	simm.s32 $0xF100  }
0xd8: {  	[hbm4b:s6+s3] =	stream.indirect_vreg.scatter [tilespmem:s20], [sflag:$0x1], $0x80, v3, vm0, $0xb8;
	[tilespmem:$0x12100] =	vst v63  }
0xd9: {  	s22 =	simm.s32 $0xF900  }
0xda: {  	[hbm4b:s7+s3] =	stream.indirect_vreg.scatter [tilespmem:s22], [sflag:$0x1], $0x80, v3, vm0, $0xb8;
	[tilespmem:$0x12100] =	vst v63  }
0xdb: {  	_ =	swait.ge [sflag:s19], $0x10000  }
0xdc: {  	[sflag:s19] =	ssyncset.done $0x0  }
0xdd: {  	s20 =	rddreg [dreg:$0x8];
	[sflag:s19] =	ssyncadd.s32 $0xFFFF0000  }
0xde: {  	[tilespmem:s0], [sflag:$0x2] =	stream.linear.gather [hbm4b:s20+s3], $0x2000, $0x38;
	[tilespmem:$0x12100] =	vst v63  }
0xdf: {  	_ =	swait.ge [sflag:s9], $0x2000  }
0xe0: {  	p0 =	sne.s32 s8, $0x1;
	s20 =	simm.s32 $0x40;
	[sflag:s9] =	ssyncset.done $0x0  }
.Ltmp0:
0xe1: {  	s1 =	rddreg [dreg:$0x9];
	[sflag:s9] =	ssyncadd.s32 $0xFFFFE000;
	(pc) =	sbr.rel @p0 .LBB2_1-.Ltmp0, $4  }
0xe2: {  	[hbm4b:s23+s20] =	stream.indirect.scatter [tilespmem:s0], [sflag:$0x1], $0x80, s1, s20, $0xb8;
	[tilespmem:$0x12100] =	vst v63  }
0xe3: {  	_ =	swait.ge [sflag:s19], $0x2000  }
0xe4: {  	[sflag:s19] =	ssyncset.done $0x0  }
0xe5: {  	s8 =	sadd.s32 $0xFFFFFFFF, s8;
	[sflag:s19] =	ssyncadd.s32 $0xFFFFE000  }
0xe6: {  	_ =	sfence.sel $0x180000  }
0xe7: {  	[bflag:$0x0] =	sbarrier.arrive $0xFFFF  }
0xe8: {  	_ =	strace $0x90000047  }
0xe9: {  	s0 =	stileid.u32;
	[bflag:$0x2] =	sbarrier.arrive $0xFFFF  }
0xea: {  	p0 =	sne.s32 s0, $0x0;
	s0 =	rddreg [dreg:$0x3]  }
0xeb: {  	s0 =	sadd.s32 @!p0 $0x100000, s0  }
0xec: {  	[sflag:s0] =	ssyncadd.tile.s32 @!p0 $0x1;
	_ =	shalt  }
.Lfunc_end2:
_tile_overlayer_lowered:
.L_overlay_start_2:
0xed: {  	(tag) =	ssettag $0x2  }
0xee: {  	s0 =	rddreg [dreg:$0x0];
	s2 =	stileid.u32  }
0xef: {  	s1 =	rddreg [dreg:$0x1];
	p0 =	sne.s32 s2, $0x0  }
0xf0: {  	s3 =	rddreg [dreg:$0x2];
	[bflag:$0x3] =	sbarrier.arrive $0xFFFF;
	s2 =	simm.s32 @!p0 $0x1C02  }
0xf1: {  	[timem:s3], [sflag:s2] =	dma.local @!p0 [hbm:s0], s1  }
0xf2: {  	s0 =	simm.s32 @!p0 $0x2  }
0xf3: {  	_ =	swait.ge @!p0 [sflag:s0], s1  }
0xf4: {  	s1 =	ssub.s32 @!p0 $0x0, s1;
	[sflag:s0] =	ssyncset.done @!p0 $0x0  }
0xf5: {  	[sflag:s0] =	ssyncadd.s32 @!p0 s1  }
0xf6: {  	[bflag:$0x3] =	sbarrier.arrive $0xFFFF  }
0xf7: {  	_ =	shalt  }

// kernel: kernel.9.cloned.1.call-start
scs
__scs_entry_jumppad:
0x0: {  	(pc) =	sbr.rel $0x88, $3  }
0x1: {  	(tag) =	ssettag $0x0;
	lr =	simm.s32 $0x1  }
0x2: {  	[smem:$0x3F9A] =	sst lr;
	_ =	strace $0xD0000000  }
0x3: {  	_ = 	snop  }
0x4: {  	_ = 	snop  }
0x5: {  	_ = 	snop  }
0x6: {  	_ = 	snop  }
0x7: {  	_ = 	snop  }
__scs_overlays_trampoline_lowered:
0x8: {  	[smem:$0x3FA9] =	sst s0  }
0x9: {  	[smem:$0x3FAA] =	sst s1  }
0xa: {  	[smem:$0x3FAB] =	sst s2  }
0xb: {  	[smem:$0x3FAC] =	sst s3  }
0xc: {  	[smem:$0x3FAD] =	sst s4  }
0xd: {  	[smem:$0x3FAE] =	sst s5  }
0xe: {  	[smem:$0x3FAF] =	sst s6  }
0xf: {  	[smem:$0x3FB0] =	sst s7  }
0x10: {  	[smem:$0x3FB1] =	sst s8  }
0x11: {  	[smem:$0x3FB2] =	sst s9;
	s0 =	simm.s32 @!p0 $0x0  }
0x12: {  	s1 =	sld [smem:$0x3F98];
	s0 =	simm.s32 @p0 $0x1  }
0x13: {  	[smem:$0x3FB3] =	sst s0;
	s0 =	simm.s32 @!p1 $0x0  }
0x14: {  	s2 =	sld [smem:$0x3F97];
	s0 =	simm.s32 @p1 $0x1  }
0x15: {  	[smem:$0x3FB4] =	sst s0;
	s0 =	simm.s32 @!p2 $0x0  }
0x16: {  	s3 =	sld [smem:$0x3FDB];
	s0 =	simm.s32 @p2 $0x1  }
0x17: {  	s4 =	simm.s32 $0x1BF5;
	[smem:$0x3FB6] =	sst s0  }
0x18: {  	s0 =	sld [smem:$0x3F99];
	_ =	swait.ge [sflag:s4], $0x0  }
0x19: {  	s7 =	sld [smem:$0x3F9A]  }
0x1a: {  	s8 =	sadd.s32 $0xFFFFE003, lr  }
0x1b: {  	s9 =	sadd.s32 $0xFFFFFEF7, lr;
	s5 =	simm.s32 $0xFFFFFFFF;
	p2 =	slt.u32 s8, $0xFFFFF086  }
0x1c: {  	p1 =	slt.u32 s9, $0xF7A;
	s5 =	simm.s32 @!p2 $0x0  }
0x1d: {  	s5 =	simm.s32 @p1 $0x1;
	p0 =	seq.s32 s7, s2  }
0x1e: {  	s7 =	smul.u32 @!p0 $0xF7A, s2;
	p2 =	seq.s32 @!p0 s5, $0x0  }
0x1f: {  	s9 =	smul.u32 $0xF7A, s1;
	s8 =	simm.s32 @!p0 $0x1BF5;
	p2 =	por !p2, p0  }
0x20: {  	[sflag:s8] =	ssyncset.s32 @!p0 $0xFFFFF086;
	s6 =	sadd.s32 @!p0 s3, s7;
	s7 =	simm.s32 @!p0 $0x108  }
0x21: {  	s3 =	sadd.s32 s3, s9;
	s6 =	sadd.s32 @!p0 $0x88, s6;
	s7 =	simm.s32 @p2 $0x1082  }
0x22: {  	[simem:s7], [sflag:s8] =	dma.local @!p0 [hbm:s6], $0xF7A  }
0x23: {  	s9 =	sor.u32 $0xD0000000, s2;
	s6 =	simm.s32 $0x108;
	_ =	swait.ge @!p0 [sflag:s8], $0x0  }
0x24: {  	s3 =	sadd.s32 $0x88, s3;
	s6 =	simm.s32 @!p1 $0x1082;
	[sflag:s4] =	ssyncset.s32 $0xFFFFF086  }
0x25: {  	[simem:s6], [sflag:s4] =	dma.local [hbm:s3], $0xF7A  }
0x26: {  	[smem:$0x3F9A] =	sst s1;
	(tag) =	ssettag s2;
	_ =	strace s9  }
0x27: {  	s1 =	sld [smem:$0x3FAA]  }
0x28: {  	s2 =	sld [smem:$0x3FAB]  }
0x29: {  	s4 =	sld [smem:$0x3FAD]  }
0x2a: {  	p0 =	seq.s32 s5, $0x0;
	s5 =	sld [smem:$0x3FAE]  }
0x2b: {  	s6 =	sld [smem:$0x3FAF]  }
0x2c: {  	s7 =	sld [smem:$0x3FB0]  }
0x2d: {  	s3 =	simm.s32 $0x108;
	s8 =	sld [smem:$0x3FB1]  }
0x2e: {  	s3 =	simm.s32 @!p0 $0x1082;
	s9 =	sld [smem:$0x3FB2]  }
0x2f: {  	lr =	sadd.s32 s0, s3;
	s0 =	sld [smem:$0x3FA9]  }
0x30: {  	s3 =	sld [smem:$0x3FAC]  }
0x31: {  	[smem:$0x3FB5] =	sst s10  }
0x32: {  	s10 =	sld [smem:$0x3FB3];
	_ =	sdelay $0x3  }
0x33: {  	p0 =	seq.s32 s10, $0x1;
	s10 =	sld [smem:$0x3FB5];
	_ =	sdelay $0x3  }
0x34: {  	[smem:$0x3FB5] =	sst s10  }
0x35: {  	s10 =	sld [smem:$0x3FB4];
	_ =	sdelay $0x3  }
0x36: {  	p1 =	seq.s32 s10, $0x1;
	s10 =	sld [smem:$0x3FB5];
	_ =	sdelay $0x3  }
0x37: {  	[smem:$0x3FB5] =	sst s10  }
0x38: {  	s10 =	sld [smem:$0x3FB6]  }
0x39: {  	_ = 	snop;
	(pc) =	sbr.ind lr, $3  }
0x3a: {  	_ = 	snop  }
0x3b: {  	_ = 	snop  }
0x3c: {  	p2 =	seq.s32 s10, $0x1;
	s10 =	sld [smem:$0x3FB5]  }
0x3d: {  	_ =	shalt  }
0x3e: {  	_ =	shalt  }
0x3f: {  	_ =	shalt  }
0x40: {  	_ =	shalt  }
0x41: {  	_ =	shalt  }
0x42: {  	_ =	shalt  }
0x43: {  	_ =	shalt  }
0x44: {  	_ =	shalt  }
0x45: {  	_ =	shalt  }
0x46: {  	_ =	shalt  }
0x47: {  	_ =	shalt  }
0x48: {  	_ =	shalt  }
0x49: {  	_ =	shalt  }
0x4a: {  	_ =	shalt  }
0x4b: {  	_ =	shalt  }
0x4c: {  	_ =	shalt  }
0x4d: {  	_ =	shalt  }
0x4e: {  	_ =	shalt  }
0x4f: {  	_ =	shalt  }
0x50: {  	_ =	shalt  }
0x51: {  	_ =	shalt  }
0x52: {  	_ =	shalt  }
0x53: {  	_ =	shalt  }
0x54: {  	_ =	shalt  }
0x55: {  	_ =	shalt  }
0x56: {  	_ =	shalt  }
0x57: {  	_ =	shalt  }
0x58: {  	_ =	shalt  }
0x59: {  	_ =	shalt  }
0x5a: {  	_ =	shalt  }
0x5b: {  	_ =	shalt  }
0x5c: {  	_ =	shalt  }
0x5d: {  	_ =	shalt  }
0x5e: {  	_ =	shalt  }
0x5f: {  	_ =	shalt  }
0x60: {  	_ =	shalt  }
0x61: {  	_ =	shalt  }
0x62: {  	_ =	shalt  }
0x63: {  	_ =	shalt  }
0x64: {  	_ =	shalt  }
0x65: {  	_ =	shalt  }
0x66: {  	_ =	shalt  }
0x67: {  	_ =	shalt  }
0x68: {  	_ =	shalt  }
0x69: {  	_ =	shalt  }
0x6a: {  	_ =	shalt  }
0x6b: {  	_ =	shalt  }
0x6c: {  	_ =	shalt  }
0x6d: {  	_ =	shalt  }
0x6e: {  	_ =	shalt  }
0x6f: {  	_ =	shalt  }
0x70: {  	_ =	shalt  }
0x71: {  	_ =	shalt  }
0x72: {  	_ =	shalt  }
0x73: {  	_ =	shalt  }
0x74: {  	_ =	shalt  }
0x75: {  	_ =	shalt  }
0x76: {  	_ =	shalt  }
0x77: {  	_ =	shalt  }
0x78: {  	_ =	shalt  }
0x79: {  	_ =	shalt  }
0x7a: {  	_ =	shalt  }
0x7b: {  	_ =	shalt  }
0x7c: {  	_ =	shalt  }
0x7d: {  	_ =	shalt  }
0x7e: {  	_ =	shalt  }
0x7f: {  	_ =	shalt  }
0x80: {  	_ =	shalt  }
0x81: {  	_ =	shalt  }
0x82: {  	_ =	shalt  }
0x83: {  	_ =	shalt  }
0x84: {  	_ =	shalt  }
0x85: {  	_ =	shalt  }
0x86: {  	_ =	shalt  }
0x87: {  	_ =	shalt  }
.Lfunc_end0:
.L_simem_size_0:
called_computation.1_lowered:
.L_overlay_start_0:
0x88: {  	s2 =	sld [smem:$0x3FD9]  }
0x89: {  	s3 =	sld [smem:$0x3FFE];
	_ =	sdelay $0x1  }
0x8a: {  	s1 =	srdreg.scid  }
0x8b: {  	s0 =	sand.u32 $0x1, s1  }
0x8c: {  	s17 =	sshll.u32 s0, $0xA;
	s2 =	sadd.s32 s3, s2  }
0x8d: {  	s2 =	sadd.s32 s2, s17  }
0x8e: {  	[smem:$0x3FC1] =	sst s2  }
0x8f: {  	_ = 	snop  }
0x90: {  	s2 =	sld [smem:$0x3FD0];
	(tm) =	ssettm $0x1  }
0x91: {  	s18 =	sld [smem:$0x3FFB];
	_ =	sdelay $0x3  }
0x92: {  	_ =	strace s18  }
0x93: {  	s3 =	sld [smem:$0x3FFC];
	_ =	sdelay $0x3  }
0x94: {  	_ =	strace s3  }
0x95: {  	s3 =	sld [smem:$0x3FFD];
	_ =	sdelay $0x3  }
0x96: {  	_ =	strace s3  }
0x97: {  	_ =	strace $0x8FFFFFFF  }
0x98: {  	s19 =	sld [smem:$0x3FDB];
	_ =	sdelay $0x1  }
0x99: {  	s4 =	simm.s32 $_scs_section_size  }
0x9a: {  	s5 =	simm.s32 $_size__tile_overlayer_lowered;
	s6 =	simm.s32 $_tile_overlayer_lowered  }
0x9b: {  	s22 =	simm.s32 $0x1BFF;
	s21 =	sshll.u32 s6, $0x1;
	s3 =	sadd.s32 s4, s19  }
0x9c: {  	s7 =	simm.s32 $0x0;
	s20 =	sshll.u32 s5, $0x1;
	s5 =	sadd.s32 s21, s3  }
0x9d: {  	[timem:s7], [sflag:s22] =	dma.local [hbm:s5], s20  }
0x9e: {  	_ =	swait.ge [sflag:s22], s20  }
0x9f: {  	s4 =	ssub.s32 $0x0, s20;
	[sflag:s22] =	ssyncset.done $0x0  }
0xa0: {  	[sflag:s22] =	ssyncadd.s32 s4;
	_ =	sdelay $0x1  }
0xa1: {  	s23 =	simm.s32 $0x1B8B  }
0xa2: {  	_ =	swait.ge [sflag:s23], $0x1  }
0xa3: {  	[sflag:s23] =	ssyncset.done $0x0  }
0xa4: {  	s25 =	simm.s32 $0x1B8E;
	s24 =	sld [smem:$0x3FFE];
	[sflag:s23] =	ssyncadd.s32 $0xFFFFFFFF  }
0xa5: {  	s26 =	simm.s32 $execute0_lowered;
	[smem:$0x3FD2] =	sst s25  }
0xa6: {  	s5 =	sshll.u32 s26, $0x1;
	_ =	strace $0x80000049;
	[dreg:$0x1] =	wrdreg $0xFFFFFFFF  }
0xa7: {  	s28 =	simm.s32 $_size_execute0_lowered;
	s3 =	sadd.s32 s3, s5;
	[dreg:$0x0] =	wrdreg $0x0  }
0xa8: {  	s5 =	sshll.u32 s28, $0x1;
	[dreg:$0x2] =	wrdreg s3  }
0xa9: {  	[dreg:$0x3] =	wrdreg s5  }
0xaa: {  	[dreg:$0x4] =	wrdreg $0xC0  }
0xab: {  	_ =	task [dreg:s7], $0x5FFFF  }
0xac: {  	[dreg:$0x1] =	wrdreg $0xFFFFFFFF  }
0xad: {  	[dreg:$0x0] =	wrdreg $0x60  }
0xae: {  	[dreg:$0x2] =	wrdreg s24  }
0xaf: {  	[dreg:$0x3] =	wrdreg s2  }
0xb0: {  	[dreg:$0x4] =	wrdreg $0x9  }
0xb1: {  	_ =	task.clear_ibuf [dreg:s7], $0x5FFFF;
	_ =	strace $0x90000049  }
0xb2: {  	s29 =	simm.s32 $0x9;
	_ =	strace $0x8000004B  }
0xb3: {  	_ =	swait.ge [sflag:s29], $0x1  }
0xb4: {  	[sflag:s29] =	ssyncadd.s32 $0xFFFFFFFF  }
0xb5: {  	_ =	strace $0x9000004B  }
0xb6: {  	_ =	sfence  }
0xb7: {  	s30 =	sld [smem:$0x0];
	_ =	sdelay $0x2  }
0xb8: {  	s31 =	sshll.u32 s1, $0xD;
	s1 =	sshrl.u32 s1, $0x2  }
0xb9: {  	s3 =	sand.u32 $0x4000, s31;
	s1 =	sadd.s32 s1, s30  }
0xba: {  	s0 =	sor.u32 s3, s0;
	s1 =	sshll.u32 s1, $0x11  }
0xbb: {  	s0 =	sor.u32 s1, s0  }
0xbc: {  	s0 =	sadd.s32 $0x8F2B, s0  }
0xbd: {  	[sflag:s0] =	ssyncadd.remote.s32 $0x1  }
0xbe: {  	_ =	sfence.sel $0xFFFF  }
0xbf: {  	[dreg:$0x0] =	wrdreg $0xFFFFFFFF;
	(pc) =	sbr.abs _section_cstart, $3  }
0xc0: {  	[dreg:$0x1] =	wrdreg $0xFFFFFFFF  }
0xc1: {  	_ =	task.clear_ibuf [dreg:s7], $0x2FFFF;
	_ =	strace $0x9FFFFFFF  }
0xc2: {  	(tm) =	ssettm $0x7FFFFFFF  }
0xc3: {  	_ =	shalt  }
tec
execute0_lowered:
.L_overlay_start_1:
0x0: {  	(tag) =	ssettag $0x1  }
0x1: {  	s0 =	rddreg [dreg:$0x0]  }
0x2: {  	s1 =	rddreg [dreg:$0x1]  }
0x3: {  	s2 =	srdreg.scid;
	s5 =	stileid.u32;
	s9 =	simm.s32 $0x2  }
0x4: {  	s19 =	simm.s32 $0x1;
	s21 =	simm.s32 $0x900;
	s22 =	simm.s32 $0x1100  }
0x5: {  	s23 =	simm.s32 $0x1900;
	s24 =	simm.s32 $0x2100;
	s28 =	simm.s32 $0x3900  }
0x6: {  	s29 =	simm.s32 $0x4100;
	s30 =	simm.s32 $0x4900;
	s31 =	simm.s32 $0x5100  }
0x7: {  	s11 =	simm.s32 $0x6900;
	s12 =	simm.s32 $0x7100;
	s13 =	simm.s32 $0x7900  }
0x8: {  	s14 =	simm.s32 $0x8900;
	s15 =	simm.s32 $0x9100;
	s16 =	simm.s32 $0x9900  }
0x9: {  	s17 =	simm.s32 $0xA100;
	s18 =	simm.s32 $0xA900;
	s3 =	sand.u32 $0x1, s2  }
0xa: {  	s10 =	simm.s32 $0xB100;
	s2 =	simm.s32 $0x0;
	s4 =	sshll.u32 s3, $0x4  }
0xb: {  	[smem:$0x7FF] =	sst s2;
	s6 =	ssub.s32 $0x2, s3;
	s3 =	sadd.s32 $0x102E00, s0  }
0xc: {  	s4 =	sor.u32 s5, s4;
	_ =	strace $0x8000004A;
	s7 =	sshrl.u32 s6, $0x1  }
0xd: {  	s5 =	sshll.u32 s4, $0x5;
	s25 =	sshll.u32 s4, $0xE;
	s4 =	sadd.s32 $0x102F00, s0  }
0xe: {  	s8 =	ssub.s32 s6, s7;
	s6 =	sadd.s32 $0x103000, s0;
	s7 =	sadd.s32 $0x103100, s0  }
0xf: {  	s5 =	sadd.s32 s5, s0;
	s1 =	sadd.s32 s1, s25;
	s8 =	smax.u32 s8, $0x1  }
0x10: {  	v2 =	vlaneseq.u32;
	s0 =	simm.s32 $0x100;
	s5 =	sadd.s32 $0x11400, s5;
	[dreg:$0x5] =	wrdreg s1  }
0x11: {  	vm0 =	vmmov $0xffff;
	v1 =	vshrl.u32 v2, $0x3;
	s25 =	simm.s32 $0x2900;
	s26 =	sadd.s32 $0x2000, s1;
	[dreg:$0x3] =	wrdreg s5  }
0x12: {  	v0 =	vand.u32 $0x7, v2;
	v2 =	vor.u32 $0x8, v2;
	v1 =	vmul.u32 $0x8, v1;
	[dreg:$0x4] =	wrdreg s26;
	s26 =	simm.s32 $0x3100;
	s5 =	simm.s32 $0x8100  }
.LBB2_1:
0x13: {  	s20 =	rddreg [dreg:$0x3]  }
0x14: {  	[tilespmem:s2], [sflag:$0x2] =	stream.linear.gather [hbm4b:s20+s2], $0x100, $0x38;
	[tilespmem:$0x10100] =	vst v63  }
0x15: {  	_ =	swait.ge [sflag:s9], $0x100  }
0x16: {  	[sflag:s9] =	ssyncset.done $0x0  }
0x17: {  	[sflag:s9] =	ssyncadd.s32 $0xFFFFFF00  }
0x18: {  	v3 =	vld [tilespmem:$0x0];
	_ =	sdelay $0x4  }
0x19: {  	v4 =	vshll.u32 v3, $0x3  }
0x1a: {  	v3 =	vand.u32 $0x7, v3;
	v4 =	vand.u32 $0xFFFFFFC0, v4  }
0x1b: {  	v3 =	vor.u32 v3, v4  }
0x1c: {  	v4 =	vperm.xlane v3, v0;
	_ =	sdelay $0x1  }
0x1d: {  	v4 =	vadd.s32 v1, v4;
	_ =	sdelay $0x4  }
0x1e: {  	[tilespmem:s0], [sflag:$0x1] =	stream.indirect_vreg.gather [hbm4b:s3+s2], $0x80, v4, vm0, $0xb8;
	[tilespmem:$0x10100] =	vst v63  }
0x1f: {  	v3 =	vperm.xlane v3, v2  }
0x20: {  	[tilespmem:s21], [sflag:$0x1] =	stream.indirect_vreg.gather [hbm4b:s4+s2], $0x80, v4, vm0, $0xb8;
	[tilespmem:$0x10100] =	vst v63  }
0x21: {  	v3 =	vadd.s32 v1, v3  }
0x22: {  	[tilespmem:s22], [sflag:$0x1] =	stream.indirect_vreg.gather [hbm4b:s6+s2], $0x80, v4, vm0, $0xb8;
	[tilespmem:$0x10100] =	vst v63  }
0x23: {  	_ = 	snop  }
0x24: {  	[tilespmem:s23], [sflag:$0x1] =	stream.indirect_vreg.gather [hbm4b:s7+s2], $0x80, v4, vm0, $0xb8;
	[tilespmem:$0x10100] =	vst v63  }
0x25: {  	_ = 	snop  }
0x26: {  	[tilespmem:s24], [sflag:$0x1] =	stream.indirect_vreg.gather [hbm4b:s3+s2], $0x80, v3, vm0, $0xb8;
	[tilespmem:$0x10100] =	vst v63  }
0x27: {  	_ = 	snop  }
0x28: {  	[tilespmem:s25], [sflag:$0x1] =	stream.indirect_vreg.gather [hbm4b:s4+s2], $0x80, v3, vm0, $0xb8;
	[tilespmem:$0x10100] =	vst v63  }
0x29: {  	_ = 	snop  }
0x2a: {  	[tilespmem:s26], [sflag:$0x1] =	stream.indirect_vreg.gather [hbm4b:s6+s2], $0x80, v3, vm0, $0xb8;
	[tilespmem:$0x10100] =	vst v63  }
0x2b: {  	_ = 	snop  }
0x2c: {  	[tilespmem:s28], [sflag:$0x1] =	stream.indirect_vreg.gather [hbm4b:s7+s2], $0x80, v3, vm0, $0xb8;
	[tilespmem:$0x10100] =	vst v63  }
0x2d: {  	v3 =	vld [tilespmem:$0x10];
	_ =	sdelay $0x4  }
0x2e: {  	v57 =	vshll.u32 v3, $0x3  }
0x2f: {  	v3 =	vand.u32 $0x7, v3;
	v4 =	vand.u32 $0xFFFFFFC0, v57  }
0x30: {  	v3 =	vor.u32 v3, v4  }
0x31: {  	v4 =	vperm.xlane v3, v0;
	_ =	sdelay $0x1  }
0x32: {  	v4 =	vadd.s32 v1, v4;
	_ =	sdelay $0x4  }
0x33: {  	[tilespmem:s29], [sflag:$0x1] =	stream.indirect_vreg.gather [hbm4b:s3+s2], $0x80, v4, vm0, $0xb8;
	[tilespmem:$0x10100] =	vst v63  }
0x34: {  	v3 =	vperm.xlane v3, v2  }
0x35: {  	[tilespmem:s30], [sflag:$0x1] =	stream.indirect_vreg.gather [hbm4b:s4+s2], $0x80, v4, vm0, $0xb8;
	[tilespmem:$0x10100] =	vst v63  }
0x36: {  	v3 =	vadd.s32 v1, v3  }
0x37: {  	[tilespmem:s31], [sflag:$0x1] =	stream.indirect_vreg.gather [hbm4b:s6+s2], $0x80, v4, vm0, $0xb8;
	[tilespmem:$0x10100] =	vst v63  }
0x38: {  	s1 =	simm.s32 $0x5900  }
0x39: {  	[tilespmem:s1], [sflag:$0x1] =	stream.indirect_vreg.gather [hbm4b:s7+s2], $0x80, v4, vm0, $0xb8;
	[tilespmem:$0x10100] =	vst v63  }
0x3a: {  	s1 =	simm.s32 $0x6100  }
0x3b: {  	[tilespmem:s1], [sflag:$0x1] =	stream.indirect_vreg.gather [hbm4b:s3+s2], $0x80, v3, vm0, $0xb8;
	[tilespmem:$0x10100] =	vst v63  }
0x3c: {  	_ = 	snop  }
0x3d: {  	[tilespmem:s11], [sflag:$0x1] =	stream.indirect_vreg.gather [hbm4b:s4+s2], $0x80, v3, vm0, $0xb8;
	[tilespmem:$0x10100] =	vst v63  }
0x3e: {  	_ = 	snop  }
0x3f: {  	[tilespmem:s12], [sflag:$0x1] =	stream.indirect_vreg.gather [hbm4b:s6+s2], $0x80, v3, vm0, $0xb8;
	[tilespmem:$0x10100] =	vst v63  }
0x40: {  	_ = 	snop  }
0x41: {  	[tilespmem:s13], [sflag:$0x1] =	stream.indirect_vreg.gather [hbm4b:s7+s2], $0x80, v3, vm0, $0xb8;
	[tilespmem:$0x10100] =	vst v63  }
0x42: {  	v3 =	vld [tilespmem:$0x20];
	_ =	sdelay $0x4  }
0x43: {  	v58 =	vshll.u32 v3, $0x3  }
0x44: {  	v3 =	vand.u32 $0x7, v3;
	v4 =	vand.u32 $0xFFFFFFC0, v58  }
0x45: {  	v3 =	vor.u32 v3, v4  }
0x46: {  	v4 =	vperm.xlane v3, v0;
	_ =	sdelay $0x1  }
0x47: {  	v4 =	vadd.s32 v1, v4;
	_ =	sdelay $0x4  }
0x48: {  	[tilespmem:s5], [sflag:$0x1] =	stream.indirect_vreg.gather [hbm4b:s3+s2], $0x80, v4, vm0, $0xb8;
	[tilespmem:$0x10100] =	vst v63  }
0x49: {  	v3 =	vperm.xlane v3, v2  }
0x4a: {  	[tilespmem:s14], [sflag:$0x1] =	stream.indirect_vreg.gather [hbm4b:s4+s2], $0x80, v4, vm0, $0xb8;
	[tilespmem:$0x10100] =	vst v63  }
0x4b: {  	v3 =	vadd.s32 v1, v3  }
0x4c: {  	[tilespmem:s15], [sflag:$0x1] =	stream.indirect_vreg.gather [hbm4b:s6+s2], $0x80, v4, vm0, $0xb8;
	[tilespmem:$0x10100] =	vst v63  }
0x4d: {  	_ = 	snop  }
0x4e: {  	[tilespmem:s16], [sflag:$0x1] =	stream.indirect_vreg.gather [hbm4b:s7+s2], $0x80, v4, vm0, $0xb8;
	[tilespmem:$0x10100] =	vst v63  }
0x4f: {  	_ = 	snop  }
0x50: {  	[tilespmem:s17], [sflag:$0x1] =	stream.indirect_vreg.gather [hbm4b:s3+s2], $0x80, v3, vm0, $0xb8;
	[tilespmem:$0x10100] =	vst v63  }
0x51: {  	_ = 	snop  }
0x52: {  	[tilespmem:s18], [sflag:$0x1] =	stream.indirect_vreg.gather [hbm4b:s4+s2], $0x80, v3, vm0, $0xb8;
	[tilespmem:$0x10100] =	vst v63  }
0x53: {  	_ = 	snop  }
0x54: {  	[tilespmem:s10], [sflag:$0x1] =	stream.indirect_vreg.gather [hbm4b:s6+s2], $0x80, v3, vm0, $0xb8;
	[tilespmem:$0x10100] =	vst v63  }
0x55: {  	s20 =	simm.s32 $0xB900  }
0x56: {  	[tilespmem:s20], [sflag:$0x1] =	stream.indirect_vreg.gather [hbm4b:s7+s2], $0x80, v3, vm0, $0xb8;
	[tilespmem:$0x10100] =	vst v63  }
0x57: {  	v3 =	vld [tilespmem:$0x30];
	_ =	sdelay $0x4  }
0x58: {  	v59 =	vshll.u32 v3, $0x3  }
0x59: {  	v3 =	vand.u32 $0x7, v3;
	v4 =	vand.u32 $0xFFFFFFC0, v59  }
0x5a: {  	v3 =	vor.u32 v3, v4  }
0x5b: {  	v4 =	vperm.xlane v3, v0;
	_ =	sdelay $0x1  }
0x5c: {  	v4 =	vadd.s32 v1, v4;
	_ =	sdelay $0x3  }
0x5d: {  	s20 =	simm.s32 $0xC100  }
0x5e: {  	[tilespmem:s20], [sflag:$0x1] =	stream.indirect_vreg.gather [hbm4b:s3+s2], $0x80, v4, vm0, $0xb8;
	[tilespmem:$0x10100] =	vst v63  }
0x5f: {  	v3 =	vperm.xlane v3, v2;
	s20 =	simm.s32 $0xC900  }
0x60: {  	[tilespmem:s20], [sflag:$0x1] =	stream.indirect_vreg.gather [hbm4b:s4+s2], $0x80, v4, vm0, $0xb8;
	[tilespmem:$0x10100] =	vst v63  }
0x61: {  	v3 =	vadd.s32 v1, v3;
	s20 =	simm.s32 $0xD100  }
0x62: {  	[tilespmem:s20], [sflag:$0x1] =	stream.indirect_vreg.gather [hbm4b:s6+s2], $0x80, v4, vm0, $0xb8;
	[tilespmem:$0x10100] =	vst v63  }
0x63: {  	s20 =	simm.s32 $0xD900  }
0x64: {  	[tilespmem:s20], [sflag:$0x1] =	stream.indirect_vreg.gather [hbm4b:s7+s2], $0x80, v4, vm0, $0xb8;
	[tilespmem:$0x10100] =	vst v63  }
0x65: {  	s20 =	simm.s32 $0xE100  }
0x66: {  	[tilespmem:s20], [sflag:$0x1] =	stream.indirect_vreg.gather [hbm4b:s3+s2], $0x80, v3, vm0, $0xb8;
	[tilespmem:$0x10100] =	vst v63  }
0x67: {  	s20 =	simm.s32 $0xE900  }
0x68: {  	[tilespmem:s20], [sflag:$0x1] =	stream.indirect_vreg.gather [hbm4b:s4+s2], $0x80, v3, vm0, $0xb8;
	[tilespmem:$0x10100] =	vst v63  }
0x69: {  	s20 =	simm.s32 $0xF100  }
0x6a: {  	[tilespmem:s20], [sflag:$0x1] =	stream.indirect_vreg.gather [hbm4b:s6+s2], $0x80, v3, vm0, $0xb8;
	[tilespmem:$0x10100] =	vst v63  }
0x6b: {  	s20 =	simm.s32 $0xF900  }
0x6c: {  	[tilespmem:s20], [sflag:$0x1] =	stream.indirect_vreg.gather [hbm4b:s7+s2], $0x80, v3, vm0, $0xb8;
	[tilespmem:$0x10100] =	vst v63  }
0x6d: {  	_ =	swait.ge [sflag:s19], $0x10000  }
0x6e: {  	[sflag:s19] =	ssyncset.done $0x0  }
0x6f: {  	s20 =	rddreg [dreg:$0x5];
	[sflag:s19] =	ssyncadd.s32 $0xFFFF0000  }
0x70: {  	[hbm4b:s20+s2] =	stream.linear.scatter [tilespmem:s0], [sflag:$0x2], $0x10000, $0x38;
	[tilespmem:$0x10100] =	vst v63  }
0x71: {  	_ =	swait.ge [sflag:s9], $0x10000  }
0x72: {  	[sflag:s9] =	ssyncset.done $0x0  }
0x73: {  	[sflag:s9] =	ssyncadd.s32 $0xFFFF0000  }
0x74: {  	v3 =	vld [tilespmem:$0x80];
	_ =	sdelay $0x4  }
0x75: {  	v60 =	vshll.u32 v3, $0x3  }
0x76: {  	v3 =	vand.u32 $0x7, v3;
	v4 =	vand.u32 $0xFFFFFFC0, v60  }
0x77: {  	v3 =	vor.u32 v3, v4  }
0x78: {  	v4 =	vperm.xlane v3, v0;
	_ =	sdelay $0x1  }
0x79: {  	v4 =	vadd.s32 v1, v4;
	_ =	sdelay $0x4  }
0x7a: {  	[tilespmem:s0], [sflag:$0x1] =	stream.indirect_vreg.gather [hbm4b:s3+s2], $0x80, v4, vm0, $0xb8;
	[tilespmem:$0x10100] =	vst v63  }
0x7b: {  	v3 =	vperm.xlane v3, v2  }
0x7c: {  	[tilespmem:s21], [sflag:$0x1] =	stream.indirect_vreg.gather [hbm4b:s4+s2], $0x80, v4, vm0, $0xb8;
	[tilespmem:$0x10100] =	vst v63  }
0x7d: {  	v3 =	vadd.s32 v1, v3  }
0x7e: {  	[tilespmem:s22], [sflag:$0x1] =	stream.indirect_vreg.gather [hbm4b:s6+s2], $0x80, v4, vm0, $0xb8;
	[tilespmem:$0x10100] =	vst v63  }
0x7f: {  	_ = 	snop  }
0x80: {  	[tilespmem:s23], [sflag:$0x1] =	stream.indirect_vreg.gather [hbm4b:s7+s2], $0x80, v4, vm0, $0xb8;
	[tilespmem:$0x10100] =	vst v63  }
0x81: {  	_ = 	snop  }
0x82: {  	[tilespmem:s24], [sflag:$0x1] =	stream.indirect_vreg.gather [hbm4b:s3+s2], $0x80, v3, vm0, $0xb8;
	[tilespmem:$0x10100] =	vst v63  }
0x83: {  	_ = 	snop  }
0x84: {  	[tilespmem:s25], [sflag:$0x1] =	stream.indirect_vreg.gather [hbm4b:s4+s2], $0x80, v3, vm0, $0xb8;
	[tilespmem:$0x10100] =	vst v63  }
0x85: {  	_ = 	snop  }
0x86: {  	[tilespmem:s26], [sflag:$0x1] =	stream.indirect_vreg.gather [hbm4b:s6+s2], $0x80, v3, vm0, $0xb8;
	[tilespmem:$0x10100] =	vst v63  }
0x87: {  	_ = 	snop  }
0x88: {  	[tilespmem:s28], [sflag:$0x1] =	stream.indirect_vreg.gather [hbm4b:s7+s2], $0x80, v3, vm0, $0xb8;
	[tilespmem:$0x10100] =	vst v63  }
0x89: {  	v3 =	vld [tilespmem:$0x90];
	_ =	sdelay $0x4  }
0x8a: {  	v61 =	vshll.u32 v3, $0x3  }
0x8b: {  	v3 =	vand.u32 $0x7, v3;
	v4 =	vand.u32 $0xFFFFFFC0, v61  }
0x8c: {  	v3 =	vor.u32 v3, v4  }
0x8d: {  	v4 =	vperm.xlane v3, v0;
	_ =	sdelay $0x1  }
0x8e: {  	v4 =	vadd.s32 v1, v4;
	_ =	sdelay $0x4  }
0x8f: {  	[tilespmem:s29], [sflag:$0x1] =	stream.indirect_vreg.gather [hbm4b:s3+s2], $0x80, v4, vm0, $0xb8;
	[tilespmem:$0x10100] =	vst v63  }
0x90: {  	v3 =	vperm.xlane v3, v2  }
0x91: {  	[tilespmem:s30], [sflag:$0x1] =	stream.indirect_vreg.gather [hbm4b:s4+s2], $0x80, v4, vm0, $0xb8;
	[tilespmem:$0x10100] =	vst v63  }
0x92: {  	v3 =	vadd.s32 v1, v3  }
0x93: {  	[tilespmem:s31], [sflag:$0x1] =	stream.indirect_vreg.gather [hbm4b:s6+s2], $0x80, v4, vm0, $0xb8;
	[tilespmem:$0x10100] =	vst v63  }
0x94: {  	s20 =	simm.s32 $0x5900  }
0x95: {  	[tilespmem:s20], [sflag:$0x1] =	stream.indirect_vreg.gather [hbm4b:s7+s2], $0x80, v4, vm0, $0xb8;
	[tilespmem:$0x10100] =	vst v63  }
0x96: {  	_ = 	snop  }
0x97: {  	[tilespmem:s1], [sflag:$0x1] =	stream.indirect_vreg.gather [hbm4b:s3+s2], $0x80, v3, vm0, $0xb8;
	[tilespmem:$0x10100] =	vst v63  }
0x98: {  	_ = 	snop  }
0x99: {  	[tilespmem:s11], [sflag:$0x1] =	stream.indirect_vreg.gather [hbm4b:s4+s2], $0x80, v3, vm0, $0xb8;
	[tilespmem:$0x10100] =	vst v63  }
0x9a: {  	_ = 	snop  }
0x9b: {  	[tilespmem:s12], [sflag:$0x1] =	stream.indirect_vreg.gather [hbm4b:s6+s2], $0x80, v3, vm0, $0xb8;
	[tilespmem:$0x10100] =	vst v63  }
0x9c: {  	_ = 	snop  }
0x9d: {  	[tilespmem:s13], [sflag:$0x1] =	stream.indirect_vreg.gather [hbm4b:s7+s2], $0x80, v3, vm0, $0xb8;
	[tilespmem:$0x10100] =	vst v63  }
0x9e: {  	v3 =	vld [tilespmem:$0xA0];
	_ =	sdelay $0x4  }
0x9f: {  	v62 =	vshll.u32 v3, $0x3  }
0xa0: {  	v3 =	vand.u32 $0x7, v3;
	v4 =	vand.u32 $0xFFFFFFC0, v62  }
0xa1: {  	v3 =	vor.u32 v3, v4  }
0xa2: {  	v4 =	vperm.xlane v3, v0;
	_ =	sdelay $0x1  }
0xa3: {  	v4 =	vadd.s32 v1, v4;
	_ =	sdelay $0x4  }
0xa4: {  	[tilespmem:s5], [sflag:$0x1] =	stream.indirect_vreg.gather [hbm4b:s3+s2], $0x80, v4, vm0, $0xb8;
	[tilespmem:$0x10100] =	vst v63  }
0xa5: {  	v3 =	vperm.xlane v3, v2  }
0xa6: {  	[tilespmem:s14], [sflag:$0x1] =	stream.indirect_vreg.gather [hbm4b:s4+s2], $0x80, v4, vm0, $0xb8;
	[tilespmem:$0x10100] =	vst v63  }
0xa7: {  	v3 =	vadd.s32 v1, v3  }
0xa8: {  	[tilespmem:s15], [sflag:$0x1] =	stream.indirect_vreg.gather [hbm4b:s6+s2], $0x80, v4, vm0, $0xb8;
	[tilespmem:$0x10100] =	vst v63  }
0xa9: {  	_ = 	snop  }
0xaa: {  	[tilespmem:s16], [sflag:$0x1] =	stream.indirect_vreg.gather [hbm4b:s7+s2], $0x80, v4, vm0, $0xb8;
	[tilespmem:$0x10100] =	vst v63  }
0xab: {  	_ = 	snop  }
0xac: {  	[tilespmem:s17], [sflag:$0x1] =	stream.indirect_vreg.gather [hbm4b:s3+s2], $0x80, v3, vm0, $0xb8;
	[tilespmem:$0x10100] =	vst v63  }
0xad: {  	_ = 	snop  }
0xae: {  	[tilespmem:s18], [sflag:$0x1] =	stream.indirect_vreg.gather [hbm4b:s4+s2], $0x80, v3, vm0, $0xb8;
	[tilespmem:$0x10100] =	vst v63  }
0xaf: {  	_ = 	snop  }
0xb0: {  	[tilespmem:s10], [sflag:$0x1] =	stream.indirect_vreg.gather [hbm4b:s6+s2], $0x80, v3, vm0, $0xb8;
	[tilespmem:$0x10100] =	vst v63  }
0xb1: {  	s20 =	simm.s32 $0xB900  }
0xb2: {  	[tilespmem:s20], [sflag:$0x1] =	stream.indirect_vreg.gather [hbm4b:s7+s2], $0x80, v3, vm0, $0xb8;
	[tilespmem:$0x10100] =	vst v63  }
0xb3: {  	v3 =	vld [tilespmem:$0xB0];
	_ =	sdelay $0x4  }
0xb4: {  	v63 =	vshll.u32 v3, $0x3  }
0xb5: {  	v3 =	vand.u32 $0x7, v3;
	v4 =	vand.u32 $0xFFFFFFC0, v63  }
0xb6: {  	v3 =	vor.u32 v3, v4  }
0xb7: {  	v4 =	vperm.xlane v3, v0;
	_ =	sdelay $0x1  }
0xb8: {  	v4 =	vadd.s32 v1, v4;
	_ =	sdelay $0x3  }
0xb9: {  	s20 =	simm.s32 $0xC100  }
0xba: {  	[tilespmem:s20], [sflag:$0x1] =	stream.indirect_vreg.gather [hbm4b:s3+s2], $0x80, v4, vm0, $0xb8;
	[tilespmem:$0x10100] =	vst v63  }
0xbb: {  	v3 =	vperm.xlane v3, v2;
	s20 =	simm.s32 $0xC900  }
0xbc: {  	[tilespmem:s20], [sflag:$0x1] =	stream.indirect_vreg.gather [hbm4b:s4+s2], $0x80, v4, vm0, $0xb8;
	[tilespmem:$0x10100] =	vst v63  }
0xbd: {  	v3 =	vadd.s32 v1, v3;
	s20 =	simm.s32 $0xD100  }
0xbe: {  	[tilespmem:s20], [sflag:$0x1] =	stream.indirect_vreg.gather [hbm4b:s6+s2], $0x80, v4, vm0, $0xb8;
	[tilespmem:$0x10100] =	vst v63  }
0xbf: {  	s20 =	simm.s32 $0xD900  }
0xc0: {  	[tilespmem:s20], [sflag:$0x1] =	stream.indirect_vreg.gather [hbm4b:s7+s2], $0x80, v4, vm0, $0xb8;
	[tilespmem:$0x10100] =	vst v63  }
0xc1: {  	s20 =	simm.s32 $0xE100  }
0xc2: {  	[tilespmem:s20], [sflag:$0x1] =	stream.indirect_vreg.gather [hbm4b:s3+s2], $0x80, v3, vm0, $0xb8;
	[tilespmem:$0x10100] =	vst v63  }
0xc3: {  	s20 =	simm.s32 $0xE900  }
0xc4: {  	[tilespmem:s20], [sflag:$0x1] =	stream.indirect_vreg.gather [hbm4b:s4+s2], $0x80, v3, vm0, $0xb8;
	[tilespmem:$0x10100] =	vst v63  }
0xc5: {  	s20 =	simm.s32 $0xF100  }
0xc6: {  	[tilespmem:s20], [sflag:$0x1] =	stream.indirect_vreg.gather [hbm4b:s6+s2], $0x80, v3, vm0, $0xb8;
	[tilespmem:$0x10100] =	vst v63  }
0xc7: {  	s20 =	simm.s32 $0xF900  }
0xc8: {  	[tilespmem:s20], [sflag:$0x1] =	stream.indirect_vreg.gather [hbm4b:s7+s2], $0x80, v3, vm0, $0xb8;
	[tilespmem:$0x10100] =	vst v63  }
0xc9: {  	_ =	swait.ge [sflag:s19], $0x10000  }
0xca: {  	p0 =	sne.s32 s8, $0x1;
	[sflag:s19] =	ssyncset.done $0x0  }
.Ltmp0:
0xcb: {  	s1 =	rddreg [dreg:$0x4];
	[sflag:s19] =	ssyncadd.s32 $0xFFFF0000;
	(pc) =	sbr.rel @p0 .LBB2_1-.Ltmp0, $4  }
0xcc: {  	[hbm4b:s1+s2] =	stream.linear.scatter [tilespmem:s0], [sflag:$0x2], $0x10000, $0x38;
	[tilespmem:$0x10100] =	vst v63  }
0xcd: {  	_ =	swait.ge [sflag:s9], $0x10000  }
0xce: {  	[sflag:s9] =	ssyncset.done $0x0  }
0xcf: {  	s8 =	sadd.s32 $0xFFFFFFFF, s8;
	[sflag:s9] =	ssyncadd.s32 $0xFFFF0000  }
0xd0: {  	_ =	sfence.sel $0x180000  }
0xd1: {  	[bflag:$0x0] =	sbarrier.arrive $0xFFFF  }
0xd2: {  	_ =	strace $0x9000004A  }
0xd3: {  	s0 =	stileid.u32;
	[bflag:$0x2] =	sbarrier.arrive $0xFFFF  }
0xd4: {  	p0 =	sne.s32 s0, $0x0;
	s0 =	rddreg [dreg:$0x2]  }
0xd5: {  	s0 =	sadd.s32 @!p0 $0x100000, s0  }
0xd6: {  	[sflag:s0] =	ssyncadd.tile.s32 @!p0 $0x1;
	_ =	shalt  }
.Lfunc_end2:
_tile_overlayer_lowered:
.L_overlay_start_2:
0xd7: {  	(tag) =	ssettag $0x2  }
0xd8: {  	s0 =	rddreg [dreg:$0x0];
	s2 =	stileid.u32  }
0xd9: {  	s1 =	rddreg [dreg:$0x1];
	p0 =	sne.s32 s2, $0x0  }
0xda: {  	s3 =	rddreg [dreg:$0x2];
	[bflag:$0x3] =	sbarrier.arrive $0xFFFF;
	s2 =	simm.s32 @!p0 $0x1C02  }
0xdb: {  	[timem:s3], [sflag:s2] =	dma.local @!p0 [hbm:s0], s1  }
0xdc: {  	s0 =	simm.s32 @!p0 $0x2  }
0xdd: {  	_ =	swait.ge @!p0 [sflag:s0], s1  }
0xde: {  	s1 =	ssub.s32 @!p0 $0x0, s1;
	[sflag:s0] =	ssyncset.done @!p0 $0x0  }
0xdf: {  	[sflag:s0] =	ssyncadd.s32 @!p0 s1  }
0xe0: {  	[bflag:$0x3] =	sbarrier.arrive $0xFFFF  }
0xe1: {  	_ =	shalt  }

</sc_bundles>
